<compile_context>
chip_gen: v7x
topology: tpu7x:2x2x1
jax: 0.10.2.dev20260603
libtpu: 0.0.44.dev20260713+nightly
codegen_flags: <defaults>
</compile_context>

<pallas_src>
import functools

import jax
import jax.numpy as jnp
from jax import lax
from jax.experimental import pallas as pl
from jax.experimental.pallas import tpu as pltpu
from jax.experimental.pallas import tpu_sc as plsc

_B = 16384
_D = 128
_NC = 2
_NS = 16
_NW = _NC * _NS
_CHUNK = 128
_CPW = _B // (_NW * _CHUNK)


def _sc_gather_body(uids, pids, nids, utab, ptab, uout, pout, nout,
                    idx_v, rows_v, sem):
    wid = lax.axis_index("s") * _NC + lax.axis_index("c")
    for ids, tab, out in ((uids, utab, uout), (pids, ptab, pout),
                          (nids, ptab, nout)):
        pltpu.sync_copy(ids.at[wid], idx_v)
        copies = [
            pltpu.async_copy(tab.at[idx_v.at[j]], rows_v.at[j], sem)
            for j in range(_CPW)
        ]
        for c in copies:
            c.wait()
        pltpu.sync_copy(rows_v, out.at[wid])


_sc_gather = functools.partial(
    pl.kernel,
    mesh=plsc.VectorSubcoreMesh(core_axis_name="c", subcore_axis_name="s"),
    out_type=(
        jax.ShapeDtypeStruct((_NW, _CPW, _CHUNK, _D), jnp.float32),
        jax.ShapeDtypeStruct((_NW, _CPW, _CHUNK, _D), jnp.float32),
        jax.ShapeDtypeStruct((_NW, _CPW, _CHUNK, _D), jnp.float32),
    ),
    scratch_types=[
        pltpu.VMEM((_CPW, _CHUNK), jnp.int32),
        pltpu.VMEM((_CPW, _CHUNK, _D), jnp.float32),
        pltpu.SemaphoreType.DMA,
    ],
)(_sc_gather_body)


_BLK = 2048


def _tc_score_body(u_ref, p_ref, c_ref, n_ref, w_ref, b_ref, sp_ref, sn_ref):
    u = u_ref[...]
    p = p_ref[...]
    cm = c_ref[...]
    n = n_ref[...]
    w = w_ref[...]
    w1 = w[:, :_D]
    w2 = w[:, _D:]
    fused = (
        lax.dot_general(p, w1, (((1,), (1,)), ((), ())),
                        preferred_element_type=jnp.float32)
        + lax.dot_general(cm, w2, (((1,), (1,)), ((), ())),
                          preferred_element_type=jnp.float32)
        + b_ref[...]
    )
    sp_ref[...] = jnp.sum(u * fused, axis=1)
    sn_ref[...] = jnp.sum(u * n, axis=1)


def _tc_score(u, p, cm, n, w, b2):
    grid = _B // _BLK
    row_spec = pl.BlockSpec((_BLK, _D), lambda i: (i, 0))
    return pl.pallas_call(
        _tc_score_body,
        grid=(grid,),
        in_specs=[
            row_spec, row_spec, row_spec, row_spec,
            pl.BlockSpec((_D, 2 * _D), lambda i: (0, 0)),
            pl.BlockSpec((1, _D), lambda i: (0, 0)),
        ],
        out_specs=[
            pl.BlockSpec((_BLK,), lambda i: (i,)),
            pl.BlockSpec((_BLK,), lambda i: (i,)),
        ],
        out_shape=[
            jax.ShapeDtypeStruct((_B,), jnp.float32),
            jax.ShapeDtypeStruct((_B,), jnp.float32),
        ],
    )(u, p, cm, n, w, b2)


def kernel(user_ids, positive_product_ids, negative_product_ids,
           positive_comment_embeddings, user_table, product_table, W, b):
    uids = user_ids.reshape(_NW, _CPW, _CHUNK)
    pids = positive_product_ids.reshape(_NW, _CPW, _CHUNK)
    nids = negative_product_ids.reshape(_NW, _CPW, _CHUNK)
    ue, pe, ne = _sc_gather(uids, pids, nids, user_table, product_table)
    ue = ue.reshape(_B, _D)
    pe = pe.reshape(_B, _D)
    ne = ne.reshape(_B, _D)
    score_pos, score_neg = _tc_score(
        ue, pe, positive_comment_embeddings, ne, W, b.reshape(1, _D))
    return (score_pos, score_neg)

# --- scband reference (transcript-rebuilt; emitter-appended) ---
"""Pipeline reference for scband-bprmodel-12352325943777 (READ-ONLY COPY).

The authoritative reference and input builder live on the scoring server;
editing this copy changes nothing except your own understanding.
"""

import jax, jax.numpy as jnp
import numpy as np

NUM_USERS = 100000
NUM_PRODUCTS = 1000000
EMBED_DIM = 128
COMMENT_DIM = 128
BATCH = 16384


def setup_inputs(seed: int = 0) -> dict:
    key = jax.random.key(seed)
    k1, k2, k3, k4, k5, k6, k7 = jax.random.split(key, 7)
    user_ids = jax.random.randint(k1, (BATCH,), 0, NUM_USERS, dtype=jnp.int32)
    positive_product_ids = jax.random.randint(k2, (BATCH,), 0, NUM_PRODUCTS, dtype=jnp.int32)
    negative_product_ids = jax.random.randint(k3, (BATCH,), 0, NUM_PRODUCTS, dtype=jnp.int32)
    positive_comment_embeddings = jax.random.normal(k4, (BATCH, COMMENT_DIM), dtype=jnp.float32)
    # learned parameters
    user_table = 0.01 * jax.random.normal(k5, (NUM_USERS, EMBED_DIM), dtype=jnp.float32)
    product_table = 0.01 * jax.random.normal(k6, (NUM_PRODUCTS, EMBED_DIM), dtype=jnp.float32)
    fan_in = EMBED_DIM + COMMENT_DIM
    fan_out = EMBED_DIM
    limit = float(np.sqrt(6.0 / (fan_in + fan_out)))
    W = jax.random.uniform(k7, (fan_out, fan_in), minval=-limit, maxval=limit, dtype=jnp.float32)
    b = jnp.zeros((fan_out,), dtype=jnp.float32)
    return {
        "user_ids": user_ids,
        "positive_product_ids": positive_product_ids,
        "negative_product_ids": negative_product_ids,
        "positive_comment_embeddings": positive_comment_embeddings,
        "user_table": user_table,
        "product_table": product_table,
        "W": W,
        "b": b,
    }


def reference(user_ids, positive_product_ids, negative_product_ids,
              positive_comment_embeddings, user_table, product_table, W, b):
    user_emb = jnp.take(user_table, user_ids, axis=0)
    positive_product_emb_raw = jnp.take(product_table, positive_product_ids, axis=0)
    negative_product_emb = jnp.take(product_table, negative_product_ids, axis=0)
    fused_positive_product_input = jnp.concatenate(
        (positive_product_emb_raw, positive_comment_embeddings), axis=1)
    fused_positive_product_emb = fused_positive_product_input @ W.T + b
    score_positive = jnp.sum(user_emb * fused_positive_product_emb, axis=1)
    score_negative = jnp.sum(user_emb * negative_product_emb, axis=1)
    return (score_positive, score_negative)

if __name__ == "__main__":
    import jax
    _d = setup_inputs()
    print(jax.jit(kernel)(*tuple(_d.values())))

</pallas_src>

<mosaic_0001>
#map = affine_map<(d0, d1) -> (0, 0, 0)>
#map1 = affine_map<(d0, d1) -> (0, 0)>
#map2 = affine_map<(d0, d1) -> (0, 0, 0, 0)>
module attributes {stable_mosaic.version = 14 : i64} {
  func.func @_sc_gather_body(%arg0: i32, %arg1: i32, %arg2: memref<32x4x128xi32, #tpu.memory_space<hbm>>, %arg3: memref<32x4x128xi32, #tpu.memory_space<hbm>>, %arg4: memref<32x4x128xi32, #tpu.memory_space<hbm>>, %arg5: memref<100000x128xf32, #tpu.memory_space<hbm>>, %arg6: memref<1000000x128xf32, #tpu.memory_space<hbm>>, %arg7: memref<32x4x128x128xf32, #tpu.memory_space<hbm>>, %arg8: memref<32x4x128x128xf32, #tpu.memory_space<hbm>>, %arg9: memref<32x4x128x128xf32, #tpu.memory_space<hbm>>, %arg10: memref<4x128xi32, #tpu.memory_space<vmem>>, %arg11: memref<4x128x128xf32, #tpu.memory_space<vmem>>, %arg12: memref<!tpu.dma_semaphore, #tpu.memory_space<semaphore_mem>>) attributes {dimension_semantics = [#tpu.dimension_semantics<core_parallel>, #tpu.dimension_semantics<subcore_parallel>], iteration_bounds = array<i64: 2, 16>, scalar_prefetch = 0 : i64, scratch_operands = 3 : i64, tpu.core_type = #tpu.core_type<sc_vector_subcore>, window_params = [{transform_indices = #map}, {transform_indices = #map}, {transform_indices = #map}, {transform_indices = #map1}, {transform_indices = #map1}, {transform_indices = #map2}, {transform_indices = #map2}, {transform_indices = #map2}]} {
    %mul3A = arith.constant 2 : i32
    %mul3A_0 = arith.muli %arg1, %mul3A : i32
    %add3A = arith.addi %mul3A_0, %arg0 : i32
    "tpu.region"() ({
      %run_scoped3A = tpu.sem_alloc : memref<!tpu.dma_semaphore, #tpu.memory_space<semaphore_mem>>
      %dma_start3A_287 = arith.constant 0 : i32
      %dma_start3A_288 = arith.constant 0 : i32
      %dma_start3A_289 = tpu.memref_slice %arg2[%add3A, %dma_start3A_287, %dma_start3A_288] : memref<32x4x128xi32, #tpu.memory_space<hbm>> -> memref<1x4x128xi32, #tpu.memory_space<hbm>>
      %dma_start3A_290 = tpu.memref_squeeze %dma_start3A_289 : memref<1x4x128xi32, #tpu.memory_space<hbm>> -> memref<4x128xi32, #tpu.memory_space<hbm>>
      %dma_start3A_291 = arith.constant 0 : i32
      %dma_start3A_292 = arith.constant 0 : i32
      %dma_start3A_293 = tpu.memref_slice %arg2[%add3A, %dma_start3A_291, %dma_start3A_292] : memref<32x4x128xi32, #tpu.memory_space<hbm>> -> memref<1x4x128xi32, #tpu.memory_space<hbm>>
      %dma_start3A_294 = tpu.memref_squeeze %dma_start3A_293 : memref<1x4x128xi32, #tpu.memory_space<hbm>> -> memref<4x128xi32, #tpu.memory_space<hbm>>
      tpu.enqueue_dma source(%dma_start3A_294 : memref<4x128xi32, #tpu.memory_space<hbm>>) target(%arg10 : memref<4x128xi32, #tpu.memory_space<vmem>>) target_semaphore(%run_scoped3A : memref<!tpu.dma_semaphore, #tpu.memory_space<semaphore_mem>>)
      %dma_wait3A_295 = arith.constant 0 : i32
      %dma_wait3A_296 = arith.constant 0 : i32
      %dma_wait3A_297 = tpu.memref_slice %arg2[%add3A, %dma_wait3A_295, %dma_wait3A_296] : memref<32x4x128xi32, #tpu.memory_space<hbm>> -> memref<1x4x128xi32, #tpu.memory_space<hbm>>
      %dma_wait3A_298 = tpu.memref_squeeze %dma_wait3A_297 : memref<1x4x128xi32, #tpu.memory_space<hbm>> -> memref<4x128xi32, #tpu.memory_space<hbm>>
      %dma_wait3A_299 = arith.constant 0 : i32
      %dma_wait3A_300 = arith.constant 0 : i32
      %dma_wait3A_301 = tpu.memref_slice %arg2[%add3A, %dma_wait3A_299, %dma_wait3A_300] : memref<32x4x128xi32, #tpu.memory_space<hbm>> -> memref<1x4x128xi32, #tpu.memory_space<hbm>>
      %dma_wait3A_302 = tpu.memref_squeeze %dma_wait3A_301 : memref<1x4x128xi32, #tpu.memory_space<hbm>> -> memref<4x128xi32, #tpu.memory_space<hbm>>
      tpu.wait_dma2 semaphore(%run_scoped3A : memref<!tpu.dma_semaphore, #tpu.memory_space<semaphore_mem>>) src(%dma_wait3A_302 : memref<4x128xi32, #tpu.memory_space<hbm>>) dst(%arg10 : memref<4x128xi32, #tpu.memory_space<vmem>>)
      tpu.yield
    }) : () -> ()
    %dma_start3A = arith.constant 0 : i32
    %dma_start3A_1 = arith.constant 0 : i32
    %dma_start3A_2 = arith.constant 0 : i32
    %dma_start3A_3 = arith.constant 0 : i32
    %dma_start3A_4 = tpu.memref_slice %arg11[%dma_start3A_1, %dma_start3A_2, %dma_start3A_3] : memref<4x128x128xf32, #tpu.memory_space<vmem>> -> memref<1x128x128xf32, #tpu.memory_space<vmem>>
    %dma_start3A_5 = tpu.memref_squeeze %dma_start3A_4 : memref<1x128x128xf32, #tpu.memory_space<vmem>> -> memref<128x128xf32, #tpu.memory_space<vmem>>
    %dma_start3A_6 = arith.constant 0 : i32
    %dma_start3A_7 = tpu.memref_slice %arg10[%dma_start3A, %dma_start3A_6] : memref<4x128xi32, #tpu.memory_space<vmem>> -> memref<1x128xi32, #tpu.memory_space<vmem>>
    %dma_start3A_8 = tpu.memref_squeeze %dma_start3A_7 : memref<1x128xi32, #tpu.memory_space<vmem>> -> memref<128xi32, #tpu.memory_space<vmem>>
    %dma_start3A_9 = arith.constant 0 : i32
    %dma_start3A_10 = arith.constant 0 : i32
    %dma_start3A_11 = tpu.memref_slice %arg5[%dma_start3A_9, %dma_start3A_10] : memref<100000x128xf32, #tpu.memory_space<hbm>> -> memref<100000x128xf32, #tpu.memory_space<hbm>>
    tpu.enqueue_indirect_dma source(%dma_start3A_11 : memref<100000x128xf32, #tpu.memory_space<hbm>>) target(%dma_start3A_5 : memref<128x128xf32, #tpu.memory_space<vmem>>) offsets(%dma_start3A_8 : memref<128xi32, #tpu.memory_space<vmem>>) semaphore(%arg12 : memref<!tpu.dma_semaphore, #tpu.memory_space<semaphore_mem>>)
    %dma_start3A_12 = arith.constant 1 : i32
    %dma_start3A_13 = arith.constant 1 : i32
    %dma_start3A_14 = arith.constant 0 : i32
    %dma_start3A_15 = arith.constant 0 : i32
    %dma_start3A_16 = tpu.memref_slice %arg11[%dma_start3A_13, %dma_start3A_14, %dma_start3A_15] : memref<4x128x128xf32, #tpu.memory_space<vmem>> -> memref<1x128x128xf32, #tpu.memory_space<vmem>>
    %dma_start3A_17 = tpu.memref_squeeze %dma_start3A_16 : memref<1x128x128xf32, #tpu.memory_space<vmem>> -> memref<128x128xf32, #tpu.memory_space<vmem>>
    %dma_start3A_18 = arith.constant 0 : i32
    %dma_start3A_19 = tpu.memref_slice %arg10[%dma_start3A_12, %dma_start3A_18] : memref<4x128xi32, #tpu.memory_space<vmem>> -> memref<1x128xi32, #tpu.memory_space<vmem>>
    %dma_start3A_20 = tpu.memref_squeeze %dma_start3A_19 : memref<1x128xi32, #tpu.memory_space<vmem>> -> memref<128xi32, #tpu.memory_space<vmem>>
    %dma_start3A_21 = arith.constant 0 : i32
    %dma_start3A_22 = arith.constant 0 : i32
    %dma_start3A_23 = tpu.memref_slice %arg5[%dma_start3A_21, %dma_start3A_22] : memref<100000x128xf32, #tpu.memory_space<hbm>> -> memref<100000x128xf32, #tpu.memory_space<hbm>>
    tpu.enqueue_indirect_dma source(%dma_start3A_23 : memref<100000x128xf32, #tpu.memory_space<hbm>>) target(%dma_start3A_17 : memref<128x128xf32, #tpu.memory_space<vmem>>) offsets(%dma_start3A_20 : memref<128xi32, #tpu.memory_space<vmem>>) semaphore(%arg12 : memref<!tpu.dma_semaphore, #tpu.memory_space<semaphore_mem>>)
    %dma_start3A_24 = arith.constant 2 : i32
    %dma_start3A_25 = arith.constant 2 : i32
    %dma_start3A_26 = arith.constant 0 : i32
    %dma_start3A_27 = arith.constant 0 : i32
    %dma_start3A_28 = tpu.memref_slice %arg11[%dma_start3A_25, %dma_start3A_26, %dma_start3A_27] : memref<4x128x128xf32, #tpu.memory_space<vmem>> -> memref<1x128x128xf32, #tpu.memory_space<vmem>>
    %dma_start3A_29 = tpu.memref_squeeze %dma_start3A_28 : memref<1x128x128xf32, #tpu.memory_space<vmem>> -> memref<128x128xf32, #tpu.memory_space<vmem>>
    %dma_start3A_30 = arith.constant 0 : i32
    %dma_start3A_31 = tpu.memref_slice %arg10[%dma_start3A_24, %dma_start3A_30] : memref<4x128xi32, #tpu.memory_space<vmem>> -> memref<1x128xi32, #tpu.memory_space<vmem>>
    %dma_start3A_32 = tpu.memref_squeeze %dma_start3A_31 : memref<1x128xi32, #tpu.memory_space<vmem>> -> memref<128xi32, #tpu.memory_space<vmem>>
    %dma_start3A_33 = arith.constant 0 : i32
    %dma_start3A_34 = arith.constant 0 : i32
    %dma_start3A_35 = tpu.memref_slice %arg5[%dma_start3A_33, %dma_start3A_34] : memref<100000x128xf32, #tpu.memory_space<hbm>> -> memref<100000x128xf32, #tpu.memory_space<hbm>>
    tpu.enqueue_indirect_dma source(%dma_start3A_35 : memref<100000x128xf32, #tpu.memory_space<hbm>>) target(%dma_start3A_29 : memref<128x128xf32, #tpu.memory_space<vmem>>) offsets(%dma_start3A_32 : memref<128xi32, #tpu.memory_space<vmem>>) semaphore(%arg12 : memref<!tpu.dma_semaphore, #tpu.memory_space<semaphore_mem>>)
    %dma_start3A_36 = arith.constant 3 : i32
    %dma_start3A_37 = arith.constant 3 : i32
    %dma_start3A_38 = arith.constant 0 : i32
    %dma_start3A_39 = arith.constant 0 : i32
    %dma_start3A_40 = tpu.memref_slice %arg11[%dma_start3A_37, %dma_start3A_38, %dma_start3A_39] : memref<4x128x128xf32, #tpu.memory_space<vmem>> -> memref<1x128x128xf32, #tpu.memory_space<vmem>>
    %dma_start3A_41 = tpu.memref_squeeze %dma_start3A_40 : memref<1x128x128xf32, #tpu.memory_space<vmem>> -> memref<128x128xf32, #tpu.memory_space<vmem>>
    %dma_start3A_42 = arith.constant 0 : i32
    %dma_start3A_43 = tpu.memref_slice %arg10[%dma_start3A_36, %dma_start3A_42] : memref<4x128xi32, #tpu.memory_space<vmem>> -> memref<1x128xi32, #tpu.memory_space<vmem>>
    %dma_start3A_44 = tpu.memref_squeeze %dma_start3A_43 : memref<1x128xi32, #tpu.memory_space<vmem>> -> memref<128xi32, #tpu.memory_space<vmem>>
    %dma_start3A_45 = arith.constant 0 : i32
    %dma_start3A_46 = arith.constant 0 : i32
    %dma_start3A_47 = tpu.memref_slice %arg5[%dma_start3A_45, %dma_start3A_46] : memref<100000x128xf32, #tpu.memory_space<hbm>> -> memref<100000x128xf32, #tpu.memory_space<hbm>>
    tpu.enqueue_indirect_dma source(%dma_start3A_47 : memref<100000x128xf32, #tpu.memory_space<hbm>>) target(%dma_start3A_41 : memref<128x128xf32, #tpu.memory_space<vmem>>) offsets(%dma_start3A_44 : memref<128xi32, #tpu.memory_space<vmem>>) semaphore(%arg12 : memref<!tpu.dma_semaphore, #tpu.memory_space<semaphore_mem>>)
    %dma_wait3A = arith.constant 0 : i32
    %dma_wait3A_48 = arith.constant 0 : i32
    %dma_wait3A_49 = arith.constant 0 : i32
    %dma_wait3A_50 = arith.constant 0 : i32
    %dma_wait3A_51 = tpu.memref_slice %arg11[%dma_wait3A_48, %dma_wait3A_49, %dma_wait3A_50] : memref<4x128x128xf32, #tpu.memory_space<vmem>> -> memref<1x128x128xf32, #tpu.memory_space<vmem>>
    %dma_wait3A_52 = tpu.memref_squeeze %dma_wait3A_51 : memref<1x128x128xf32, #tpu.memory_space<vmem>> -> memref<128x128xf32, #tpu.memory_space<vmem>>
    %dma_wait3A_53 = arith.constant 0 : i32
    %dma_wait3A_54 = tpu.memref_slice %arg10[%dma_wait3A, %dma_wait3A_53] : memref<4x128xi32, #tpu.memory_space<vmem>> -> memref<1x128xi32, #tpu.memory_space<vmem>>
    %dma_wait3A_55 = tpu.memref_squeeze %dma_wait3A_54 : memref<1x128xi32, #tpu.memory_space<vmem>> -> memref<128xi32, #tpu.memory_space<vmem>>
    %dma_wait3A_56 = arith.constant 0 : i32
    %dma_wait3A_57 = arith.constant 0 : i32
    %dma_wait3A_58 = tpu.memref_slice %arg5[%dma_wait3A_56, %dma_wait3A_57] : memref<100000x128xf32, #tpu.memory_space<hbm>> -> memref<100000x128xf32, #tpu.memory_space<hbm>>
    tpu.wait_indirect_dma semaphore(%arg12 : memref<!tpu.dma_semaphore, #tpu.memory_space<semaphore_mem>>) src(%dma_wait3A_58 : memref<100000x128xf32, #tpu.memory_space<hbm>>) dst(%dma_wait3A_52 : memref<128x128xf32, #tpu.memory_space<vmem>>)
    %dma_wait3A_59 = arith.constant 1 : i32
    %dma_wait3A_60 = arith.constant 1 : i32
    %dma_wait3A_61 = arith.constant 0 : i32
    %dma_wait3A_62 = arith.constant 0 : i32
    %dma_wait3A_63 = tpu.memref_slice %arg11[%dma_wait3A_60, %dma_wait3A_61, %dma_wait3A_62] : memref<4x128x128xf32, #tpu.memory_space<vmem>> -> memref<1x128x128xf32, #tpu.memory_space<vmem>>
    %dma_wait3A_64 = tpu.memref_squeeze %dma_wait3A_63 : memref<1x128x128xf32, #tpu.memory_space<vmem>> -> memref<128x128xf32, #tpu.memory_space<vmem>>
    %dma_wait3A_65 = arith.constant 0 : i32
    %dma_wait3A_66 = tpu.memref_slice %arg10[%dma_wait3A_59, %dma_wait3A_65] : memref<4x128xi32, #tpu.memory_space<vmem>> -> memref<1x128xi32, #tpu.memory_space<vmem>>
    %dma_wait3A_67 = tpu.memref_squeeze %dma_wait3A_66 : memref<1x128xi32, #tpu.memory_space<vmem>> -> memref<128xi32, #tpu.memory_space<vmem>>
    %dma_wait3A_68 = arith.constant 0 : i32
    %dma_wait3A_69 = arith.constant 0 : i32
    %dma_wait3A_70 = tpu.memref_slice %arg5[%dma_wait3A_68, %dma_wait3A_69] : memref<100000x128xf32, #tpu.memory_space<hbm>> -> memref<100000x128xf32, #tpu.memory_space<hbm>>
    tpu.wait_indirect_dma semaphore(%arg12 : memref<!tpu.dma_semaphore, #tpu.memory_space<semaphore_mem>>) src(%dma_wait3A_70 : memref<100000x128xf32, #tpu.memory_space<hbm>>) dst(%dma_wait3A_64 : memref<128x128xf32, #tpu.memory_space<vmem>>)
    %dma_wait3A_71 = arith.constant 2 : i32
    %dma_wait3A_72 = arith.constant 2 : i32
    %dma_wait3A_73 = arith.constant 0 : i32
    %dma_wait3A_74 = arith.constant 0 : i32
    %dma_wait3A_75 = tpu.memref_slice %arg11[%dma_wait3A_72, %dma_wait3A_73, %dma_wait3A_74] : memref<4x128x128xf32, #tpu.memory_space<vmem>> -> memref<1x128x128xf32, #tpu.memory_space<vmem>>
    %dma_wait3A_76 = tpu.memref_squeeze %dma_wait3A_75 : memref<1x128x128xf32, #tpu.memory_space<vmem>> -> memref<128x128xf32, #tpu.memory_space<vmem>>
    %dma_wait3A_77 = arith.constant 0 : i32
    %dma_wait3A_78 = tpu.memref_slice %arg10[%dma_wait3A_71, %dma_wait3A_77] : memref<4x128xi32, #tpu.memory_space<vmem>> -> memref<1x128xi32, #tpu.memory_space<vmem>>
    %dma_wait3A_79 = tpu.memref_squeeze %dma_wait3A_78 : memref<1x128xi32, #tpu.memory_space<vmem>> -> memref<128xi32, #tpu.memory_space<vmem>>
    %dma_wait3A_80 = arith.constant 0 : i32
    %dma_wait3A_81 = arith.constant 0 : i32
    %dma_wait3A_82 = tpu.memref_slice %arg5[%dma_wait3A_80, %dma_wait3A_81] : memref<100000x128xf32, #tpu.memory_space<hbm>> -> memref<100000x128xf32, #tpu.memory_space<hbm>>
    tpu.wait_indirect_dma semaphore(%arg12 : memref<!tpu.dma_semaphore, #tpu.memory_space<semaphore_mem>>) src(%dma_wait3A_82 : memref<100000x128xf32, #tpu.memory_space<hbm>>) dst(%dma_wait3A_76 : memref<128x128xf32, #tpu.memory_space<vmem>>)
    %dma_wait3A_83 = arith.constant 3 : i32
    %dma_wait3A_84 = arith.constant 3 : i32
    %dma_wait3A_85 = arith.constant 0 : i32
    %dma_wait3A_86 = arith.constant 0 : i32
    %dma_wait3A_87 = tpu.memref_slice %arg11[%dma_wait3A_84, %dma_wait3A_85, %dma_wait3A_86] : memref<4x128x128xf32, #tpu.memory_space<vmem>> -> memref<1x128x128xf32, #tpu.memory_space<vmem>>
    %dma_wait3A_88 = tpu.memref_squeeze %dma_wait3A_87 : memref<1x128x128xf32, #tpu.memory_space<vmem>> -> memref<128x128xf32, #tpu.memory_space<vmem>>
    %dma_wait3A_89 = arith.constant 0 : i32
    %dma_wait3A_90 = tpu.memref_slice %arg10[%dma_wait3A_83, %dma_wait3A_89] : memref<4x128xi32, #tpu.memory_space<vmem>> -> memref<1x128xi32, #tpu.memory_space<vmem>>
    %dma_wait3A_91 = tpu.memref_squeeze %dma_wait3A_90 : memref<1x128xi32, #tpu.memory_space<vmem>> -> memref<128xi32, #tpu.memory_space<vmem>>
    %dma_wait3A_92 = arith.constant 0 : i32
    %dma_wait3A_93 = arith.constant 0 : i32
    %dma_wait3A_94 = tpu.memref_slice %arg5[%dma_wait3A_92, %dma_wait3A_93] : memref<100000x128xf32, #tpu.memory_space<hbm>> -> memref<100000x128xf32, #tpu.memory_space<hbm>>
    tpu.wait_indirect_dma semaphore(%arg12 : memref<!tpu.dma_semaphore, #tpu.memory_space<semaphore_mem>>) src(%dma_wait3A_94 : memref<100000x128xf32, #tpu.memory_space<hbm>>) dst(%dma_wait3A_88 : memref<128x128xf32, #tpu.memory_space<vmem>>)
    "tpu.region"() ({
      %run_scoped3A = tpu.sem_alloc : memref<!tpu.dma_semaphore, #tpu.memory_space<semaphore_mem>>
      %dma_start3A_287 = arith.constant 0 : i32
      %dma_start3A_288 = arith.constant 0 : i32
      %dma_start3A_289 = arith.constant 0 : i32
      %dma_start3A_290 = tpu.memref_slice %arg7[%add3A, %dma_start3A_287, %dma_start3A_288, %dma_start3A_289] : memref<32x4x128x128xf32, #tpu.memory_space<hbm>> -> memref<1x4x128x128xf32, #tpu.memory_space<hbm>>
      %dma_start3A_291 = tpu.memref_squeeze %dma_start3A_290 : memref<1x4x128x128xf32, #tpu.memory_space<hbm>> -> memref<4x128x128xf32, #tpu.memory_space<hbm>>
      %dma_start3A_292 = arith.constant 0 : i32
      %dma_start3A_293 = arith.constant 0 : i32
      %dma_start3A_294 = arith.constant 0 : i32
      %dma_start3A_295 = tpu.memref_slice %arg7[%add3A, %dma_start3A_292, %dma_start3A_293, %dma_start3A_294] : memref<32x4x128x128xf32, #tpu.memory_space<hbm>> -> memref<1x4x128x128xf32, #tpu.memory_space<hbm>>
      %dma_start3A_296 = tpu.memref_squeeze %dma_start3A_295 : memref<1x4x128x128xf32, #tpu.memory_space<hbm>> -> memref<4x128x128xf32, #tpu.memory_space<hbm>>
      tpu.enqueue_dma source(%arg11 : memref<4x128x128xf32, #tpu.memory_space<vmem>>) target(%dma_start3A_296 : memref<4x128x128xf32, #tpu.memory_space<hbm>>) target_semaphore(%run_scoped3A : memref<!tpu.dma_semaphore, #tpu.memory_space<semaphore_mem>>)
      %dma_wait3A_297 = arith.constant 0 : i32
      %dma_wait3A_298 = arith.constant 0 : i32
      %dma_wait3A_299 = arith.constant 0 : i32
      %dma_wait3A_300 = tpu.memref_slice %arg7[%add3A, %dma_wait3A_297, %dma_wait3A_298, %dma_wait3A_299] : memref<32x4x128x128xf32, #tpu.memory_space<hbm>> -> memref<1x4x128x128xf32, #tpu.memory_space<hbm>>
      %dma_wait3A_301 = tpu.memref_squeeze %dma_wait3A_300 : memref<1x4x128x128xf32, #tpu.memory_space<hbm>> -> memref<4x128x128xf32, #tpu.memory_space<hbm>>
      %dma_wait3A_302 = arith.constant 0 : i32
      %dma_wait3A_303 = arith.constant 0 : i32
      %dma_wait3A_304 = arith.constant 0 : i32
      %dma_wait3A_305 = tpu.memref_slice %arg7[%add3A, %dma_wait3A_302, %dma_wait3A_303, %dma_wait3A_304] : memref<32x4x128x128xf32, #tpu.memory_space<hbm>> -> memref<1x4x128x128xf32, #tpu.memory_space<hbm>>
      %dma_wait3A_306 = tpu.memref_squeeze %dma_wait3A_305 : memref<1x4x128x128xf32, #tpu.memory_space<hbm>> -> memref<4x128x128xf32, #tpu.memory_space<hbm>>
      tpu.wait_dma2 semaphore(%run_scoped3A : memref<!tpu.dma_semaphore, #tpu.memory_space<semaphore_mem>>) src(%arg11 : memref<4x128x128xf32, #tpu.memory_space<vmem>>) dst(%dma_wait3A_306 : memref<4x128x128xf32, #tpu.memory_space<hbm>>)
      tpu.yield
    }) : () -> ()
    "tpu.region"() ({
      %run_scoped3A = tpu.sem_alloc : memref<!tpu.dma_semaphore, #tpu.memory_space<semaphore_mem>>
      %dma_start3A_287 = arith.constant 0 : i32
      %dma_start3A_288 = arith.constant 0 : i32
      %dma_start3A_289 = tpu.memref_slice %arg3[%add3A, %dma_start3A_287, %dma_start3A_288] : memref<32x4x128xi32, #tpu.memory_space<hbm>> -> memref<1x4x128xi32, #tpu.memory_space<hbm>>
      %dma_start3A_290 = tpu.memref_squeeze %dma_start3A_289 : memref<1x4x128xi32, #tpu.memory_space<hbm>> -> memref<4x128xi32, #tpu.memory_space<hbm>>
      %dma_start3A_291 = arith.constant 0 : i32
      %dma_start3A_292 = arith.constant 0 : i32
      %dma_start3A_293 = tpu.memref_slice %arg3[%add3A, %dma_start3A_291, %dma_start3A_292] : memref<32x4x128xi32, #tpu.memory_space<hbm>> -> memref<1x4x128xi32, #tpu.memory_space<hbm>>
      %dma_start3A_294 = tpu.memref_squeeze %dma_start3A_293 : memref<1x4x128xi32, #tpu.memory_space<hbm>> -> memref<4x128xi32, #tpu.memory_space<hbm>>
      tpu.enqueue_dma source(%dma_start3A_294 : memref<4x128xi32, #tpu.memory_space<hbm>>) target(%arg10 : memref<4x128xi32, #tpu.memory_space<vmem>>) target_semaphore(%run_scoped3A : memref<!tpu.dma_semaphore, #tpu.memory_space<semaphore_mem>>)
      %dma_wait3A_295 = arith.constant 0 : i32
      %dma_wait3A_296 = arith.constant 0 : i32
      %dma_wait3A_297 = tpu.memref_slice %arg3[%add3A, %dma_wait3A_295, %dma_wait3A_296] : memref<32x4x128xi32, #tpu.memory_space<hbm>> -> memref<1x4x128xi32, #tpu.memory_space<hbm>>
      %dma_wait3A_298 = tpu.memref_squeeze %dma_wait3A_297 : memref<1x4x128xi32, #tpu.memory_space<hbm>> -> memref<4x128xi32, #tpu.memory_space<hbm>>
      %dma_wait3A_299 = arith.constant 0 : i32
      %dma_wait3A_300 = arith.constant 0 : i32
      %dma_wait3A_301 = tpu.memref_slice %arg3[%add3A, %dma_wait3A_299, %dma_wait3A_300] : memref<32x4x128xi32, #tpu.memory_space<hbm>> -> memref<1x4x128xi32, #tpu.memory_space<hbm>>
      %dma_wait3A_302 = tpu.memref_squeeze %dma_wait3A_301 : memref<1x4x128xi32, #tpu.memory_space<hbm>> -> memref<4x128xi32, #tpu.memory_space<hbm>>
      tpu.wait_dma2 semaphore(%run_scoped3A : memref<!tpu.dma_semaphore, #tpu.memory_space<semaphore_mem>>) src(%dma_wait3A_302 : memref<4x128xi32, #tpu.memory_space<hbm>>) dst(%arg10 : memref<4x128xi32, #tpu.memory_space<vmem>>)
      tpu.yield
    }) : () -> ()
    %dma_start3A_95 = arith.constant 0 : i32
    %dma_start3A_96 = arith.constant 0 : i32
    %dma_start3A_97 = arith.constant 0 : i32
    %dma_start3A_98 = arith.constant 0 : i32
    %dma_start3A_99 = tpu.memref_slice %arg11[%dma_start3A_96, %dma_start3A_97, %dma_start3A_98] : memref<4x128x128xf32, #tpu.memory_space<vmem>> -> memref<1x128x128xf32, #tpu.memory_space<vmem>>
    %dma_start3A_100 = tpu.memref_squeeze %dma_start3A_99 : memref<1x128x128xf32, #tpu.memory_space<vmem>> -> memref<128x128xf32, #tpu.memory_space<vmem>>
    %dma_start3A_101 = arith.constant 0 : i32
    %dma_start3A_102 = tpu.memref_slice %arg10[%dma_start3A_95, %dma_start3A_101] : memref<4x128xi32, #tpu.memory_space<vmem>> -> memref<1x128xi32, #tpu.memory_space<vmem>>
    %dma_start3A_103 = tpu.memref_squeeze %dma_start3A_102 : memref<1x128xi32, #tpu.memory_space<vmem>> -> memref<128xi32, #tpu.memory_space<vmem>>
    %dma_start3A_104 = arith.constant 0 : i32
    %dma_start3A_105 = arith.constant 0 : i32
    %dma_start3A_106 = tpu.memref_slice %arg6[%dma_start3A_104, %dma_start3A_105] : memref<1000000x128xf32, #tpu.memory_space<hbm>> -> memref<1000000x128xf32, #tpu.memory_space<hbm>>
    tpu.enqueue_indirect_dma source(%dma_start3A_106 : memref<1000000x128xf32, #tpu.memory_space<hbm>>) target(%dma_start3A_100 : memref<128x128xf32, #tpu.memory_space<vmem>>) offsets(%dma_start3A_103 : memref<128xi32, #tpu.memory_space<vmem>>) semaphore(%arg12 : memref<!tpu.dma_semaphore, #tpu.memory_space<semaphore_mem>>)
    %dma_start3A_107 = arith.constant 1 : i32
    %dma_start3A_108 = arith.constant 1 : i32
    %dma_start3A_109 = arith.constant 0 : i32
    %dma_start3A_110 = arith.constant 0 : i32
    %dma_start3A_111 = tpu.memref_slice %arg11[%dma_start3A_108, %dma_start3A_109, %dma_start3A_110] : memref<4x128x128xf32, #tpu.memory_space<vmem>> -> memref<1x128x128xf32, #tpu.memory_space<vmem>>
    %dma_start3A_112 = tpu.memref_squeeze %dma_start3A_111 : memref<1x128x128xf32, #tpu.memory_space<vmem>> -> memref<128x128xf32, #tpu.memory_space<vmem>>
    %dma_start3A_113 = arith.constant 0 : i32
    %dma_start3A_114 = tpu.memref_slice %arg10[%dma_start3A_107, %dma_start3A_113] : memref<4x128xi32, #tpu.memory_space<vmem>> -> memref<1x128xi32, #tpu.memory_space<vmem>>
    %dma_start3A_115 = tpu.memref_squeeze %dma_start3A_114 : memref<1x128xi32, #tpu.memory_space<vmem>> -> memref<128xi32, #tpu.memory_space<vmem>>
    %dma_start3A_116 = arith.constant 0 : i32
    %dma_start3A_117 = arith.constant 0 : i32
    %dma_start3A_118 = tpu.memref_slice %arg6[%dma_start3A_116, %dma_start3A_117] : memref<1000000x128xf32, #tpu.memory_space<hbm>> -> memref<1000000x128xf32, #tpu.memory_space<hbm>>
    tpu.enqueue_indirect_dma source(%dma_start3A_118 : memref<1000000x128xf32, #tpu.memory_space<hbm>>) target(%dma_start3A_112 : memref<128x128xf32, #tpu.memory_space<vmem>>) offsets(%dma_start3A_115 : memref<128xi32, #tpu.memory_space<vmem>>) semaphore(%arg12 : memref<!tpu.dma_semaphore, #tpu.memory_space<semaphore_mem>>)
    %dma_start3A_119 = arith.constant 2 : i32
    %dma_start3A_120 = arith.constant 2 : i32
    %dma_start3A_121 = arith.constant 0 : i32
    %dma_start3A_122 = arith.constant 0 : i32
    %dma_start3A_123 = tpu.memref_slice %arg11[%dma_start3A_120, %dma_start3A_121, %dma_start3A_122] : memref<4x128x128xf32, #tpu.memory_space<vmem>> -> memref<1x128x128xf32, #tpu.memory_space<vmem>>
    %dma_start3A_124 = tpu.memref_squeeze %dma_start3A_123 : memref<1x128x128xf32, #tpu.memory_space<vmem>> -> memref<128x128xf32, #tpu.memory_space<vmem>>
    %dma_start3A_125 = arith.constant 0 : i32
    %dma_start3A_126 = tpu.memref_slice %arg10[%dma_start3A_119, %dma_start3A_125] : memref<4x128xi32, #tpu.memory_space<vmem>> -> memref<1x128xi32, #tpu.memory_space<vmem>>
    %dma_start3A_127 = tpu.memref_squeeze %dma_start3A_126 : memref<1x128xi32, #tpu.memory_space<vmem>> -> memref<128xi32, #tpu.memory_space<vmem>>
    %dma_start3A_128 = arith.constant 0 : i32
    %dma_start3A_129 = arith.constant 0 : i32
    %dma_start3A_130 = tpu.memref_slice %arg6[%dma_start3A_128, %dma_start3A_129] : memref<1000000x128xf32, #tpu.memory_space<hbm>> -> memref<1000000x128xf32, #tpu.memory_space<hbm>>
    tpu.enqueue_indirect_dma source(%dma_start3A_130 : memref<1000000x128xf32, #tpu.memory_space<hbm>>) target(%dma_start3A_124 : memref<128x128xf32, #tpu.memory_space<vmem>>) offsets(%dma_start3A_127 : memref<128xi32, #tpu.memory_space<vmem>>) semaphore(%arg12 : memref<!tpu.dma_semaphore, #tpu.memory_space<semaphore_mem>>)
    %dma_start3A_131 = arith.constant 3 : i32
    %dma_start3A_132 = arith.constant 3 : i32
    %dma_start3A_133 = arith.constant 0 : i32
    %dma_start3A_134 = arith.constant 0 : i32
    %dma_start3A_135 = tpu.memref_slice %arg11[%dma_start3A_132, %dma_start3A_133, %dma_start3A_134] : memref<4x128x128xf32, #tpu.memory_space<vmem>> -> memref<1x128x128xf32, #tpu.memory_space<vmem>>
    %dma_start3A_136 = tpu.memref_squeeze %dma_start3A_135 : memref<1x128x128xf32, #tpu.memory_space<vmem>> -> memref<128x128xf32, #tpu.memory_space<vmem>>
    %dma_start3A_137 = arith.constant 0 : i32
    %dma_start3A_138 = tpu.memref_slice %arg10[%dma_start3A_131, %dma_start3A_137] : memref<4x128xi32, #tpu.memory_space<vmem>> -> memref<1x128xi32, #tpu.memory_space<vmem>>
    %dma_start3A_139 = tpu.memref_squeeze %dma_start3A_138 : memref<1x128xi32, #tpu.memory_space<vmem>> -> memref<128xi32, #tpu.memory_space<vmem>>
    %dma_start3A_140 = arith.constant 0 : i32
    %dma_start3A_141 = arith.constant 0 : i32
    %dma_start3A_142 = tpu.memref_slice %arg6[%dma_start3A_140, %dma_start3A_141] : memref<1000000x128xf32, #tpu.memory_space<hbm>> -> memref<1000000x128xf32, #tpu.memory_space<hbm>>
    tpu.enqueue_indirect_dma source(%dma_start3A_142 : memref<1000000x128xf32, #tpu.memory_space<hbm>>) target(%dma_start3A_136 : memref<128x128xf32, #tpu.memory_space<vmem>>) offsets(%dma_start3A_139 : memref<128xi32, #tpu.memory_space<vmem>>) semaphore(%arg12 : memref<!tpu.dma_semaphore, #tpu.memory_space<semaphore_mem>>)
    %dma_wait3A_143 = arith.constant 0 : i32
    %dma_wait3A_144 = arith.constant 0 : i32
    %dma_wait3A_145 = arith.constant 0 : i32
    %dma_wait3A_146 = arith.constant 0 : i32
    %dma_wait3A_147 = tpu.memref_slice %arg11[%dma_wait3A_144, %dma_wait3A_145, %dma_wait3A_146] : memref<4x128x128xf32, #tpu.memory_space<vmem>> -> memref<1x128x128xf32, #tpu.memory_space<vmem>>
    %dma_wait3A_148 = tpu.memref_squeeze %dma_wait3A_147 : memref<1x128x128xf32, #tpu.memory_space<vmem>> -> memref<128x128xf32, #tpu.memory_space<vmem>>
    %dma_wait3A_149 = arith.constant 0 : i32
    %dma_wait3A_150 = tpu.memref_slice %arg10[%dma_wait3A_143, %dma_wait3A_149] : memref<4x128xi32, #tpu.memory_space<vmem>> -> memref<1x128xi32, #tpu.memory_space<vmem>>
    %dma_wait3A_151 = tpu.memref_squeeze %dma_wait3A_150 : memref<1x128xi32, #tpu.memory_space<vmem>> -> memref<128xi32, #tpu.memory_space<vmem>>
    %dma_wait3A_152 = arith.constant 0 : i32
    %dma_wait3A_153 = arith.constant 0 : i32
    %dma_wait3A_154 = tpu.memref_slice %arg6[%dma_wait3A_152, %dma_wait3A_153] : memref<1000000x128xf32, #tpu.memory_space<hbm>> -> memref<1000000x128xf32, #tpu.memory_space<hbm>>
    tpu.wait_indirect_dma semaphore(%arg12 : memref<!tpu.dma_semaphore, #tpu.memory_space<semaphore_mem>>) src(%dma_wait3A_154 : memref<1000000x128xf32, #tpu.memory_space<hbm>>) dst(%dma_wait3A_148 : memref<128x128xf32, #tpu.memory_space<vmem>>)
    %dma_wait3A_155 = arith.constant 1 : i32
    %dma_wait3A_156 = arith.constant 1 : i32
    %dma_wait3A_157 = arith.constant 0 : i32
    %dma_wait3A_158 = arith.constant 0 : i32
    %dma_wait3A_159 = tpu.memref_slice %arg11[%dma_wait3A_156, %dma_wait3A_157, %dma_wait3A_158] : memref<4x128x128xf32, #tpu.memory_space<vmem>> -> memref<1x128x128xf32, #tpu.memory_space<vmem>>
    %dma_wait3A_160 = tpu.memref_squeeze %dma_wait3A_159 : memref<1x128x128xf32, #tpu.memory_space<vmem>> -> memref<128x128xf32, #tpu.memory_space<vmem>>
    %dma_wait3A_161 = arith.constant 0 : i32
    %dma_wait3A_162 = tpu.memref_slice %arg10[%dma_wait3A_155, %dma_wait3A_161] : memref<4x128xi32, #tpu.memory_space<vmem>> -> memref<1x128xi32, #tpu.memory_space<vmem>>
    %dma_wait3A_163 = tpu.memref_squeeze %dma_wait3A_162 : memref<1x128xi32, #tpu.memory_space<vmem>> -> memref<128xi32, #tpu.memory_space<vmem>>
    %dma_wait3A_164 = arith.constant 0 : i32
    %dma_wait3A_165 = arith.constant 0 : i32
    %dma_wait3A_166 = tpu.memref_slice %arg6[%dma_wait3A_164, %dma_wait3A_165] : memref<1000000x128xf32, #tpu.memory_space<hbm>> -> memref<1000000x128xf32, #tpu.memory_space<hbm>>
    tpu.wait_indirect_dma semaphore(%arg12 : memref<!tpu.dma_semaphore, #tpu.memory_space<semaphore_mem>>) src(%dma_wait3A_166 : memref<1000000x128xf32, #tpu.memory_space<hbm>>) dst(%dma_wait3A_160 : memref<128x128xf32, #tpu.memory_space<vmem>>)
    %dma_wait3A_167 = arith.constant 2 : i32
    %dma_wait3A_168 = arith.constant 2 : i32
    %dma_wait3A_169 = arith.constant 0 : i32
    %dma_wait3A_170 = arith.constant 0 : i32
    %dma_wait3A_171 = tpu.memref_slice %arg11[%dma_wait3A_168, %dma_wait3A_169, %dma_wait3A_170] : memref<4x128x128xf32, #tpu.memory_space<vmem>> -> memref<1x128x128xf32, #tpu.memory_space<vmem>>
    %dma_wait3A_172 = tpu.memref_squeeze %dma_wait3A_171 : memref<1x128x128xf32, #tpu.memory_space<vmem>> -> memref<128x128xf32, #tpu.memory_space<vmem>>
    %dma_wait3A_173 = arith.constant 0 : i32
    %dma_wait3A_174 = tpu.memref_slice %arg10[%dma_wait3A_167, %dma_wait3A_173] : memref<4x128xi32, #tpu.memory_space<vmem>> -> memref<1x128xi32, #tpu.memory_space<vmem>>
    %dma_wait3A_175 = tpu.memref_squeeze %dma_wait3A_174 : memref<1x128xi32, #tpu.memory_space<vmem>> -> memref<128xi32, #tpu.memory_space<vmem>>
    %dma_wait3A_176 = arith.constant 0 : i32
    %dma_wait3A_177 = arith.constant 0 : i32
    %dma_wait3A_178 = tpu.memref_slice %arg6[%dma_wait3A_176, %dma_wait3A_177] : memref<1000000x128xf32, #tpu.memory_space<hbm>> -> memref<1000000x128xf32, #tpu.memory_space<hbm>>
    tpu.wait_indirect_dma semaphore(%arg12 : memref<!tpu.dma_semaphore, #tpu.memory_space<semaphore_mem>>) src(%dma_wait3A_178 : memref<1000000x128xf32, #tpu.memory_space<hbm>>) dst(%dma_wait3A_172 : memref<128x128xf32, #tpu.memory_space<vmem>>)
    %dma_wait3A_179 = arith.constant 3 : i32
    %dma_wait3A_180 = arith.constant 3 : i32
    %dma_wait3A_181 = arith.constant 0 : i32
    %dma_wait3A_182 = arith.constant 0 : i32
    %dma_wait3A_183 = tpu.memref_slice %arg11[%dma_wait3A_180, %dma_wait3A_181, %dma_wait3A_182] : memref<4x128x128xf32, #tpu.memory_space<vmem>> -> memref<1x128x128xf32, #tpu.memory_space<vmem>>
    %dma_wait3A_184 = tpu.memref_squeeze %dma_wait3A_183 : memref<1x128x128xf32, #tpu.memory_space<vmem>> -> memref<128x128xf32, #tpu.memory_space<vmem>>
    %dma_wait3A_185 = arith.constant 0 : i32
    %dma_wait3A_186 = tpu.memref_slice %arg10[%dma_wait3A_179, %dma_wait3A_185] : memref<4x128xi32, #tpu.memory_space<vmem>> -> memref<1x128xi32, #tpu.memory_space<vmem>>
    %dma_wait3A_187 = tpu.memref_squeeze %dma_wait3A_186 : memref<1x128xi32, #tpu.memory_space<vmem>> -> memref<128xi32, #tpu.memory_space<vmem>>
    %dma_wait3A_188 = arith.constant 0 : i32
    %dma_wait3A_189 = arith.constant 0 : i32
    %dma_wait3A_190 = tpu.memref_slice %arg6[%dma_wait3A_188, %dma_wait3A_189] : memref<1000000x128xf32, #tpu.memory_space<hbm>> -> memref<1000000x128xf32, #tpu.memory_space<hbm>>
    tpu.wait_indirect_dma semaphore(%arg12 : memref<!tpu.dma_semaphore, #tpu.memory_space<semaphore_mem>>) src(%dma_wait3A_190 : memref<1000000x128xf32, #tpu.memory_space<hbm>>) dst(%dma_wait3A_184 : memref<128x128xf32, #tpu.memory_space<vmem>>)
    "tpu.region"() ({
      %run_scoped3A = tpu.sem_alloc : memref<!tpu.dma_semaphore, #tpu.memory_space<semaphore_mem>>
      %dma_start3A_287 = arith.constant 0 : i32
      %dma_start3A_288 = arith.constant 0 : i32
      %dma_start3A_289 = arith.constant 0 : i32
      %dma_start3A_290 = tpu.memref_slice %arg8[%add3A, %dma_start3A_287, %dma_start3A_288, %dma_start3A_289] : memref<32x4x128x128xf32, #tpu.memory_space<hbm>> -> memref<1x4x128x128xf32, #tpu.memory_space<hbm>>
      %dma_start3A_291 = tpu.memref_squeeze %dma_start3A_290 : memref<1x4x128x128xf32, #tpu.memory_space<hbm>> -> memref<4x128x128xf32, #tpu.memory_space<hbm>>
      %dma_start3A_292 = arith.constant 0 : i32
      %dma_start3A_293 = arith.constant 0 : i32
      %dma_start3A_294 = arith.constant 0 : i32
      %dma_start3A_295 = tpu.memref_slice %arg8[%add3A, %dma_start3A_292, %dma_start3A_293, %dma_start3A_294] : memref<32x4x128x128xf32, #tpu.memory_space<hbm>> -> memref<1x4x128x128xf32, #tpu.memory_space<hbm>>
      %dma_start3A_296 = tpu.memref_squeeze %dma_start3A_295 : memref<1x4x128x128xf32, #tpu.memory_space<hbm>> -> memref<4x128x128xf32, #tpu.memory_space<hbm>>
      tpu.enqueue_dma source(%arg11 : memref<4x128x128xf32, #tpu.memory_space<vmem>>) target(%dma_start3A_296 : memref<4x128x128xf32, #tpu.memory_space<hbm>>) target_semaphore(%run_scoped3A : memref<!tpu.dma_semaphore, #tpu.memory_space<semaphore_mem>>)
      %dma_wait3A_297 = arith.constant 0 : i32
      %dma_wait3A_298 = arith.constant 0 : i32
      %dma_wait3A_299 = arith.constant 0 : i32
      %dma_wait3A_300 = tpu.memref_slice %arg8[%add3A, %dma_wait3A_297, %dma_wait3A_298, %dma_wait3A_299] : memref<32x4x128x128xf32, #tpu.memory_space<hbm>> -> memref<1x4x128x128xf32, #tpu.memory_space<hbm>>
      %dma_wait3A_301 = tpu.memref_squeeze %dma_wait3A_300 : memref<1x4x128x128xf32, #tpu.memory_space<hbm>> -> memref<4x128x128xf32, #tpu.memory_space<hbm>>
      %dma_wait3A_302 = arith.constant 0 : i32
      %dma_wait3A_303 = arith.constant 0 : i32
      %dma_wait3A_304 = arith.constant 0 : i32
      %dma_wait3A_305 = tpu.memref_slice %arg8[%add3A, %dma_wait3A_302, %dma_wait3A_303, %dma_wait3A_304] : memref<32x4x128x128xf32, #tpu.memory_space<hbm>> -> memref<1x4x128x128xf32, #tpu.memory_space<hbm>>
      %dma_wait3A_306 = tpu.memref_squeeze %dma_wait3A_305 : memref<1x4x128x128xf32, #tpu.memory_space<hbm>> -> memref<4x128x128xf32, #tpu.memory_space<hbm>>
      tpu.wait_dma2 semaphore(%run_scoped3A : memref<!tpu.dma_semaphore, #tpu.memory_space<semaphore_mem>>) src(%arg11 : memref<4x128x128xf32, #tpu.memory_space<vmem>>) dst(%dma_wait3A_306 : memref<4x128x128xf32, #tpu.memory_space<hbm>>)
      tpu.yield
    }) : () -> ()
    "tpu.region"() ({
      %run_scoped3A = tpu.sem_alloc : memref<!tpu.dma_semaphore, #tpu.memory_space<semaphore_mem>>
      %dma_start3A_287 = arith.constant 0 : i32
      %dma_start3A_288 = arith.constant 0 : i32
      %dma_start3A_289 = tpu.memref_slice %arg4[%add3A, %dma_start3A_287, %dma_start3A_288] : memref<32x4x128xi32, #tpu.memory_space<hbm>> -> memref<1x4x128xi32, #tpu.memory_space<hbm>>
      %dma_start3A_290 = tpu.memref_squeeze %dma_start3A_289 : memref<1x4x128xi32, #tpu.memory_space<hbm>> -> memref<4x128xi32, #tpu.memory_space<hbm>>
      %dma_start3A_291 = arith.constant 0 : i32
      %dma_start3A_292 = arith.constant 0 : i32
      %dma_start3A_293 = tpu.memref_slice %arg4[%add3A, %dma_start3A_291, %dma_start3A_292] : memref<32x4x128xi32, #tpu.memory_space<hbm>> -> memref<1x4x128xi32, #tpu.memory_space<hbm>>
      %dma_start3A_294 = tpu.memref_squeeze %dma_start3A_293 : memref<1x4x128xi32, #tpu.memory_space<hbm>> -> memref<4x128xi32, #tpu.memory_space<hbm>>
      tpu.enqueue_dma source(%dma_start3A_294 : memref<4x128xi32, #tpu.memory_space<hbm>>) target(%arg10 : memref<4x128xi32, #tpu.memory_space<vmem>>) target_semaphore(%run_scoped3A : memref<!tpu.dma_semaphore, #tpu.memory_space<semaphore_mem>>)
      %dma_wait3A_295 = arith.constant 0 : i32
      %dma_wait3A_296 = arith.constant 0 : i32
      %dma_wait3A_297 = tpu.memref_slice %arg4[%add3A, %dma_wait3A_295, %dma_wait3A_296] : memref<32x4x128xi32, #tpu.memory_space<hbm>> -> memref<1x4x128xi32, #tpu.memory_space<hbm>>
      %dma_wait3A_298 = tpu.memref_squeeze %dma_wait3A_297 : memref<1x4x128xi32, #tpu.memory_space<hbm>> -> memref<4x128xi32, #tpu.memory_space<hbm>>
      %dma_wait3A_299 = arith.constant 0 : i32
      %dma_wait3A_300 = arith.constant 0 : i32
      %dma_wait3A_301 = tpu.memref_slice %arg4[%add3A, %dma_wait3A_299, %dma_wait3A_300] : memref<32x4x128xi32, #tpu.memory_space<hbm>> -> memref<1x4x128xi32, #tpu.memory_space<hbm>>
      %dma_wait3A_302 = tpu.memref_squeeze %dma_wait3A_301 : memref<1x4x128xi32, #tpu.memory_space<hbm>> -> memref<4x128xi32, #tpu.memory_space<hbm>>
      tpu.wait_dma2 semaphore(%run_scoped3A : memref<!tpu.dma_semaphore, #tpu.memory_space<semaphore_mem>>) src(%dma_wait3A_302 : memref<4x128xi32, #tpu.memory_space<hbm>>) dst(%arg10 : memref<4x128xi32, #tpu.memory_space<vmem>>)
      tpu.yield
    }) : () -> ()
    %dma_start3A_191 = arith.constant 0 : i32
    %dma_start3A_192 = arith.constant 0 : i32
    %dma_start3A_193 = arith.constant 0 : i32
    %dma_start3A_194 = arith.constant 0 : i32
    %dma_start3A_195 = tpu.memref_slice %arg11[%dma_start3A_192, %dma_start3A_193, %dma_start3A_194] : memref<4x128x128xf32, #tpu.memory_space<vmem>> -> memref<1x128x128xf32, #tpu.memory_space<vmem>>
    %dma_start3A_196 = tpu.memref_squeeze %dma_start3A_195 : memref<1x128x128xf32, #tpu.memory_space<vmem>> -> memref<128x128xf32, #tpu.memory_space<vmem>>
    %dma_start3A_197 = arith.constant 0 : i32
    %dma_start3A_198 = tpu.memref_slice %arg10[%dma_start3A_191, %dma_start3A_197] : memref<4x128xi32, #tpu.memory_space<vmem>> -> memref<1x128xi32, #tpu.memory_space<vmem>>
    %dma_start3A_199 = tpu.memref_squeeze %dma_start3A_198 : memref<1x128xi32, #tpu.memory_space<vmem>> -> memref<128xi32, #tpu.memory_space<vmem>>
    %dma_start3A_200 = arith.constant 0 : i32
    %dma_start3A_201 = arith.constant 0 : i32
    %dma_start3A_202 = tpu.memref_slice %arg6[%dma_start3A_200, %dma_start3A_201] : memref<1000000x128xf32, #tpu.memory_space<hbm>> -> memref<1000000x128xf32, #tpu.memory_space<hbm>>
    tpu.enqueue_indirect_dma source(%dma_start3A_202 : memref<1000000x128xf32, #tpu.memory_space<hbm>>) target(%dma_start3A_196 : memref<128x128xf32, #tpu.memory_space<vmem>>) offsets(%dma_start3A_199 : memref<128xi32, #tpu.memory_space<vmem>>) semaphore(%arg12 : memref<!tpu.dma_semaphore, #tpu.memory_space<semaphore_mem>>)
    %dma_start3A_203 = arith.constant 1 : i32
    %dma_start3A_204 = arith.constant 1 : i32
    %dma_start3A_205 = arith.constant 0 : i32
    %dma_start3A_206 = arith.constant 0 : i32
    %dma_start3A_207 = tpu.memref_slice %arg11[%dma_start3A_204, %dma_start3A_205, %dma_start3A_206] : memref<4x128x128xf32, #tpu.memory_space<vmem>> -> memref<1x128x128xf32, #tpu.memory_space<vmem>>
    %dma_start3A_208 = tpu.memref_squeeze %dma_start3A_207 : memref<1x128x128xf32, #tpu.memory_space<vmem>> -> memref<128x128xf32, #tpu.memory_space<vmem>>
    %dma_start3A_209 = arith.constant 0 : i32
    %dma_start3A_210 = tpu.memref_slice %arg10[%dma_start3A_203, %dma_start3A_209] : memref<4x128xi32, #tpu.memory_space<vmem>> -> memref<1x128xi32, #tpu.memory_space<vmem>>
    %dma_start3A_211 = tpu.memref_squeeze %dma_start3A_210 : memref<1x128xi32, #tpu.memory_space<vmem>> -> memref<128xi32, #tpu.memory_space<vmem>>
    %dma_start3A_212 = arith.constant 0 : i32
    %dma_start3A_213 = arith.constant 0 : i32
    %dma_start3A_214 = tpu.memref_slice %arg6[%dma_start3A_212, %dma_start3A_213] : memref<1000000x128xf32, #tpu.memory_space<hbm>> -> memref<1000000x128xf32, #tpu.memory_space<hbm>>
    tpu.enqueue_indirect_dma source(%dma_start3A_214 : memref<1000000x128xf32, #tpu.memory_space<hbm>>) target(%dma_start3A_208 : memref<128x128xf32, #tpu.memory_space<vmem>>) offsets(%dma_start3A_211 : memref<128xi32, #tpu.memory_space<vmem>>) semaphore(%arg12 : memref<!tpu.dma_semaphore, #tpu.memory_space<semaphore_mem>>)
    %dma_start3A_215 = arith.constant 2 : i32
    %dma_start3A_216 = arith.constant 2 : i32
    %dma_start3A_217 = arith.constant 0 : i32
    %dma_start3A_218 = arith.constant 0 : i32
    %dma_start3A_219 = tpu.memref_slice %arg11[%dma_start3A_216, %dma_start3A_217, %dma_start3A_218] : memref<4x128x128xf32, #tpu.memory_space<vmem>> -> memref<1x128x128xf32, #tpu.memory_space<vmem>>
    %dma_start3A_220 = tpu.memref_squeeze %dma_start3A_219 : memref<1x128x128xf32, #tpu.memory_space<vmem>> -> memref<128x128xf32, #tpu.memory_space<vmem>>
    %dma_start3A_221 = arith.constant 0 : i32
    %dma_start3A_222 = tpu.memref_slice %arg10[%dma_start3A_215, %dma_start3A_221] : memref<4x128xi32, #tpu.memory_space<vmem>> -> memref<1x128xi32, #tpu.memory_space<vmem>>
    %dma_start3A_223 = tpu.memref_squeeze %dma_start3A_222 : memref<1x128xi32, #tpu.memory_space<vmem>> -> memref<128xi32, #tpu.memory_space<vmem>>
    %dma_start3A_224 = arith.constant 0 : i32
    %dma_start3A_225 = arith.constant 0 : i32
    %dma_start3A_226 = tpu.memref_slice %arg6[%dma_start3A_224, %dma_start3A_225] : memref<1000000x128xf32, #tpu.memory_space<hbm>> -> memref<1000000x128xf32, #tpu.memory_space<hbm>>
    tpu.enqueue_indirect_dma source(%dma_start3A_226 : memref<1000000x128xf32, #tpu.memory_space<hbm>>) target(%dma_start3A_220 : memref<128x128xf32, #tpu.memory_space<vmem>>) offsets(%dma_start3A_223 : memref<128xi32, #tpu.memory_space<vmem>>) semaphore(%arg12 : memref<!tpu.dma_semaphore, #tpu.memory_space<semaphore_mem>>)
    %dma_start3A_227 = arith.constant 3 : i32
    %dma_start3A_228 = arith.constant 3 : i32
    %dma_start3A_229 = arith.constant 0 : i32
    %dma_start3A_230 = arith.constant 0 : i32
    %dma_start3A_231 = tpu.memref_slice %arg11[%dma_start3A_228, %dma_start3A_229, %dma_start3A_230] : memref<4x128x128xf32, #tpu.memory_space<vmem>> -> memref<1x128x128xf32, #tpu.memory_space<vmem>>
    %dma_start3A_232 = tpu.memref_squeeze %dma_start3A_231 : memref<1x128x128xf32, #tpu.memory_space<vmem>> -> memref<128x128xf32, #tpu.memory_space<vmem>>
    %dma_start3A_233 = arith.constant 0 : i32
    %dma_start3A_234 = tpu.memref_slice %arg10[%dma_start3A_227, %dma_start3A_233] : memref<4x128xi32, #tpu.memory_space<vmem>> -> memref<1x128xi32, #tpu.memory_space<vmem>>
    %dma_start3A_235 = tpu.memref_squeeze %dma_start3A_234 : memref<1x128xi32, #tpu.memory_space<vmem>> -> memref<128xi32, #tpu.memory_space<vmem>>
    %dma_start3A_236 = arith.constant 0 : i32
    %dma_start3A_237 = arith.constant 0 : i32
    %dma_start3A_238 = tpu.memref_slice %arg6[%dma_start3A_236, %dma_start3A_237] : memref<1000000x128xf32, #tpu.memory_space<hbm>> -> memref<1000000x128xf32, #tpu.memory_space<hbm>>
    tpu.enqueue_indirect_dma source(%dma_start3A_238 : memref<1000000x128xf32, #tpu.memory_space<hbm>>) target(%dma_start3A_232 : memref<128x128xf32, #tpu.memory_space<vmem>>) offsets(%dma_start3A_235 : memref<128xi32, #tpu.memory_space<vmem>>) semaphore(%arg12 : memref<!tpu.dma_semaphore, #tpu.memory_space<semaphore_mem>>)
    %dma_wait3A_239 = arith.constant 0 : i32
    %dma_wait3A_240 = arith.constant 0 : i32
    %dma_wait3A_241 = arith.constant 0 : i32
    %dma_wait3A_242 = arith.constant 0 : i32
    %dma_wait3A_243 = tpu.memref_slice %arg11[%dma_wait3A_240, %dma_wait3A_241, %dma_wait3A_242] : memref<4x128x128xf32, #tpu.memory_space<vmem>> -> memref<1x128x128xf32, #tpu.memory_space<vmem>>
    %dma_wait3A_244 = tpu.memref_squeeze %dma_wait3A_243 : memref<1x128x128xf32, #tpu.memory_space<vmem>> -> memref<128x128xf32, #tpu.memory_space<vmem>>
    %dma_wait3A_245 = arith.constant 0 : i32
    %dma_wait3A_246 = tpu.memref_slice %arg10[%dma_wait3A_239, %dma_wait3A_245] : memref<4x128xi32, #tpu.memory_space<vmem>> -> memref<1x128xi32, #tpu.memory_space<vmem>>
    %dma_wait3A_247 = tpu.memref_squeeze %dma_wait3A_246 : memref<1x128xi32, #tpu.memory_space<vmem>> -> memref<128xi32, #tpu.memory_space<vmem>>
    %dma_wait3A_248 = arith.constant 0 : i32
    %dma_wait3A_249 = arith.constant 0 : i32
    %dma_wait3A_250 = tpu.memref_slice %arg6[%dma_wait3A_248, %dma_wait3A_249] : memref<1000000x128xf32, #tpu.memory_space<hbm>> -> memref<1000000x128xf32, #tpu.memory_space<hbm>>
    tpu.wait_indirect_dma semaphore(%arg12 : memref<!tpu.dma_semaphore, #tpu.memory_space<semaphore_mem>>) src(%dma_wait3A_250 : memref<1000000x128xf32, #tpu.memory_space<hbm>>) dst(%dma_wait3A_244 : memref<128x128xf32, #tpu.memory_space<vmem>>)
    %dma_wait3A_251 = arith.constant 1 : i32
    %dma_wait3A_252 = arith.constant 1 : i32
    %dma_wait3A_253 = arith.constant 0 : i32
    %dma_wait3A_254 = arith.constant 0 : i32
    %dma_wait3A_255 = tpu.memref_slice %arg11[%dma_wait3A_252, %dma_wait3A_253, %dma_wait3A_254] : memref<4x128x128xf32, #tpu.memory_space<vmem>> -> memref<1x128x128xf32, #tpu.memory_space<vmem>>
    %dma_wait3A_256 = tpu.memref_squeeze %dma_wait3A_255 : memref<1x128x128xf32, #tpu.memory_space<vmem>> -> memref<128x128xf32, #tpu.memory_space<vmem>>
    %dma_wait3A_257 = arith.constant 0 : i32
    %dma_wait3A_258 = tpu.memref_slice %arg10[%dma_wait3A_251, %dma_wait3A_257] : memref<4x128xi32, #tpu.memory_space<vmem>> -> memref<1x128xi32, #tpu.memory_space<vmem>>
    %dma_wait3A_259 = tpu.memref_squeeze %dma_wait3A_258 : memref<1x128xi32, #tpu.memory_space<vmem>> -> memref<128xi32, #tpu.memory_space<vmem>>
    %dma_wait3A_260 = arith.constant 0 : i32
    %dma_wait3A_261 = arith.constant 0 : i32
    %dma_wait3A_262 = tpu.memref_slice %arg6[%dma_wait3A_260, %dma_wait3A_261] : memref<1000000x128xf32, #tpu.memory_space<hbm>> -> memref<1000000x128xf32, #tpu.memory_space<hbm>>
    tpu.wait_indirect_dma semaphore(%arg12 : memref<!tpu.dma_semaphore, #tpu.memory_space<semaphore_mem>>) src(%dma_wait3A_262 : memref<1000000x128xf32, #tpu.memory_space<hbm>>) dst(%dma_wait3A_256 : memref<128x128xf32, #tpu.memory_space<vmem>>)
    %dma_wait3A_263 = arith.constant 2 : i32
    %dma_wait3A_264 = arith.constant 2 : i32
    %dma_wait3A_265 = arith.constant 0 : i32
    %dma_wait3A_266 = arith.constant 0 : i32
    %dma_wait3A_267 = tpu.memref_slice %arg11[%dma_wait3A_264, %dma_wait3A_265, %dma_wait3A_266] : memref<4x128x128xf32, #tpu.memory_space<vmem>> -> memref<1x128x128xf32, #tpu.memory_space<vmem>>
    %dma_wait3A_268 = tpu.memref_squeeze %dma_wait3A_267 : memref<1x128x128xf32, #tpu.memory_space<vmem>> -> memref<128x128xf32, #tpu.memory_space<vmem>>
    %dma_wait3A_269 = arith.constant 0 : i32
    %dma_wait3A_270 = tpu.memref_slice %arg10[%dma_wait3A_263, %dma_wait3A_269] : memref<4x128xi32, #tpu.memory_space<vmem>> -> memref<1x128xi32, #tpu.memory_space<vmem>>
    %dma_wait3A_271 = tpu.memref_squeeze %dma_wait3A_270 : memref<1x128xi32, #tpu.memory_space<vmem>> -> memref<128xi32, #tpu.memory_space<vmem>>
    %dma_wait3A_272 = arith.constant 0 : i32
    %dma_wait3A_273 = arith.constant 0 : i32
    %dma_wait3A_274 = tpu.memref_slice %arg6[%dma_wait3A_272, %dma_wait3A_273] : memref<1000000x128xf32, #tpu.memory_space<hbm>> -> memref<1000000x128xf32, #tpu.memory_space<hbm>>
    tpu.wait_indirect_dma semaphore(%arg12 : memref<!tpu.dma_semaphore, #tpu.memory_space<semaphore_mem>>) src(%dma_wait3A_274 : memref<1000000x128xf32, #tpu.memory_space<hbm>>) dst(%dma_wait3A_268 : memref<128x128xf32, #tpu.memory_space<vmem>>)
    %dma_wait3A_275 = arith.constant 3 : i32
    %dma_wait3A_276 = arith.constant 3 : i32
    %dma_wait3A_277 = arith.constant 0 : i32
    %dma_wait3A_278 = arith.constant 0 : i32
    %dma_wait3A_279 = tpu.memref_slice %arg11[%dma_wait3A_276, %dma_wait3A_277, %dma_wait3A_278] : memref<4x128x128xf32, #tpu.memory_space<vmem>> -> memref<1x128x128xf32, #tpu.memory_space<vmem>>
    %dma_wait3A_280 = tpu.memref_squeeze %dma_wait3A_279 : memref<1x128x128xf32, #tpu.memory_space<vmem>> -> memref<128x128xf32, #tpu.memory_space<vmem>>
    %dma_wait3A_281 = arith.constant 0 : i32
    %dma_wait3A_282 = tpu.memref_slice %arg10[%dma_wait3A_275, %dma_wait3A_281] : memref<4x128xi32, #tpu.memory_space<vmem>> -> memref<1x128xi32, #tpu.memory_space<vmem>>
    %dma_wait3A_283 = tpu.memref_squeeze %dma_wait3A_282 : memref<1x128xi32, #tpu.memory_space<vmem>> -> memref<128xi32, #tpu.memory_space<vmem>>
    %dma_wait3A_284 = arith.constant 0 : i32
    %dma_wait3A_285 = arith.constant 0 : i32
    %dma_wait3A_286 = tpu.memref_slice %arg6[%dma_wait3A_284, %dma_wait3A_285] : memref<1000000x128xf32, #tpu.memory_space<hbm>> -> memref<1000000x128xf32, #tpu.memory_space<hbm>>
    tpu.wait_indirect_dma semaphore(%arg12 : memref<!tpu.dma_semaphore, #tpu.memory_space<semaphore_mem>>) src(%dma_wait3A_286 : memref<1000000x128xf32, #tpu.memory_space<hbm>>) dst(%dma_wait3A_280 : memref<128x128xf32, #tpu.memory_space<vmem>>)
    "tpu.region"() ({
      %run_scoped3A = tpu.sem_alloc : memref<!tpu.dma_semaphore, #tpu.memory_space<semaphore_mem>>
      %dma_start3A_287 = arith.constant 0 : i32
      %dma_start3A_288 = arith.constant 0 : i32
      %dma_start3A_289 = arith.constant 0 : i32
      %dma_start3A_290 = tpu.memref_slice %arg9[%add3A, %dma_start3A_287, %dma_start3A_288, %dma_start3A_289] : memref<32x4x128x128xf32, #tpu.memory_space<hbm>> -> memref<1x4x128x128xf32, #tpu.memory_space<hbm>>
      %dma_start3A_291 = tpu.memref_squeeze %dma_start3A_290 : memref<1x4x128x128xf32, #tpu.memory_space<hbm>> -> memref<4x128x128xf32, #tpu.memory_space<hbm>>
      %dma_start3A_292 = arith.constant 0 : i32
      %dma_start3A_293 = arith.constant 0 : i32
      %dma_start3A_294 = arith.constant 0 : i32
      %dma_start3A_295 = tpu.memref_slice %arg9[%add3A, %dma_start3A_292, %dma_start3A_293, %dma_start3A_294] : memref<32x4x128x128xf32, #tpu.memory_space<hbm>> -> memref<1x4x128x128xf32, #tpu.memory_space<hbm>>
      %dma_start3A_296 = tpu.memref_squeeze %dma_start3A_295 : memref<1x4x128x128xf32, #tpu.memory_space<hbm>> -> memref<4x128x128xf32, #tpu.memory_space<hbm>>
      tpu.enqueue_dma source(%arg11 : memref<4x128x128xf32, #tpu.memory_space<vmem>>) target(%dma_start3A_296 : memref<4x128x128xf32, #tpu.memory_space<hbm>>) target_semaphore(%run_scoped3A : memref<!tpu.dma_semaphore, #tpu.memory_space<semaphore_mem>>)
      %dma_wait3A_297 = arith.constant 0 : i32
      %dma_wait3A_298 = arith.constant 0 : i32
      %dma_wait3A_299 = arith.constant 0 : i32
      %dma_wait3A_300 = tpu.memref_slice %arg9[%add3A, %dma_wait3A_297, %dma_wait3A_298, %dma_wait3A_299] : memref<32x4x128x128xf32, #tpu.memory_space<hbm>> -> memref<1x4x128x128xf32, #tpu.memory_space<hbm>>
      %dma_wait3A_301 = tpu.memref_squeeze %dma_wait3A_300 : memref<1x4x128x128xf32, #tpu.memory_space<hbm>> -> memref<4x128x128xf32, #tpu.memory_space<hbm>>
      %dma_wait3A_302 = arith.constant 0 : i32
      %dma_wait3A_303 = arith.constant 0 : i32
      %dma_wait3A_304 = arith.constant 0 : i32
      %dma_wait3A_305 = tpu.memref_slice %arg9[%add3A, %dma_wait3A_302, %dma_wait3A_303, %dma_wait3A_304] : memref<32x4x128x128xf32, #tpu.memory_space<hbm>> -> memref<1x4x128x128xf32, #tpu.memory_space<hbm>>
      %dma_wait3A_306 = tpu.memref_squeeze %dma_wait3A_305 : memref<1x4x128x128xf32, #tpu.memory_space<hbm>> -> memref<4x128x128xf32, #tpu.memory_space<hbm>>
      tpu.wait_dma2 semaphore(%run_scoped3A : memref<!tpu.dma_semaphore, #tpu.memory_space<semaphore_mem>>) src(%arg11 : memref<4x128x128xf32, #tpu.memory_space<vmem>>) dst(%dma_wait3A_306 : memref<4x128x128xf32, #tpu.memory_space<hbm>>)
      tpu.yield
    }) : () -> ()
    return
  }
}

module attributes {stable_mosaic.version = 14 : i64} {
  func.func @_tc_score_body(%arg0: i32, %arg1: memref<2048x128xf32, #tpu.memory_space<vmem>>, %arg2: memref<2048x128xf32, #tpu.memory_space<vmem>>, %arg3: memref<2048x128xf32, #tpu.memory_space<vmem>>, %arg4: memref<2048x128xf32, #tpu.memory_space<vmem>>, %arg5: memref<128x256xf32, #tpu.memory_space<vmem>>, %arg6: memref<1x128xf32, #tpu.memory_space<vmem>>, %arg7: memref<2048xf32, #tpu.memory_space<vmem>>, %arg8: memref<2048xf32, #tpu.memory_space<vmem>>) attributes {dimension_semantics = [#tpu.dimension_semantics<arbitrary>], iteration_bounds = array<i64: 8>, scalar_prefetch = 0 : i64, scratch_operands = 0 : i64, tpu.core_type = #tpu.core_type<tc>, window_params = [{transform_indices = @transform_0, window_bounds = array<i64: 2048, 128>}, {transform_indices = @transform_1, window_bounds = array<i64: 2048, 128>}, {transform_indices = @transform_2, window_bounds = array<i64: 2048, 128>}, {transform_indices = @transform_3, window_bounds = array<i64: 2048, 128>}, {pipeline_mode = #tpu.pipeline_mode<synchronous>, transform_indices = @transform_4, window_bounds = array<i64: 128, 256>}, {pipeline_mode = #tpu.pipeline_mode<synchronous>, transform_indices = @transform_5, window_bounds = array<i64: 1, 128>}, {transform_indices = @transform_6, window_bounds = array<i64: 2048>}, {transform_indices = @transform_7, window_bounds = array<i64: 2048>}]} {
    %get3A = arith.constant 0 : index
    %get3A_0 = arith.constant 0 : index
    %get3A_1 = vector.load %arg1[%get3A, %get3A_0] : memref<2048x128xf32, #tpu.memory_space<vmem>>, vector<2048x128xf32>
    %get3A_2 = arith.constant 0 : index
    %get3A_3 = arith.constant 0 : index
    %get3A_4 = vector.load %arg2[%get3A_2, %get3A_3] : memref<2048x128xf32, #tpu.memory_space<vmem>>, vector<2048x128xf32>
    %get3A_5 = arith.constant 0 : index
    %get3A_6 = arith.constant 0 : index
    %get3A_7 = vector.load %arg3[%get3A_5, %get3A_6] : memref<2048x128xf32, #tpu.memory_space<vmem>>, vector<2048x128xf32>
    %get3A_8 = arith.constant 0 : index
    %get3A_9 = arith.constant 0 : index
    %get3A_10 = vector.load %arg4[%get3A_8, %get3A_9] : memref<2048x128xf32, #tpu.memory_space<vmem>>, vector<2048x128xf32>
    %get3A_11 = arith.constant 0 : index
    %get3A_12 = arith.constant 0 : index
    %get3A_13 = vector.load %arg5[%get3A_11, %get3A_12] : memref<128x256xf32, #tpu.memory_space<vmem>>, vector<128x256xf32>
    %slice3A = vector.extract_strided_slice %get3A_13 {offsets = [0, 0], sizes = [128, 128], strides = [1, 1]} : vector<128x256xf32> to vector<128x128xf32>
    %slice3A_14 = vector.extract_strided_slice %get3A_13 {offsets = [0, 128], sizes = [128, 128], strides = [1, 1]} : vector<128x256xf32> to vector<128x128xf32>
    %dot_general3A = arith.constant dense<0.000000e+00> : vector<2048x128xf32>
    %dot_general3A_15 = tpu.matmul %get3A_4, %slice3A, %dot_general3A {dimension_numbers = #tpu.dot_dimension_numbers<[1], [1], [0], [0], [0, 0, 1, 0], [], []>, transpose_lhs_hint = false} : vector<2048x128xf32>, vector<128x128xf32>, vector<2048x128xf32> -> vector<2048x128xf32>
    %dot_general3A_16 = arith.constant dense<0.000000e+00> : vector<2048x128xf32>
    %dot_general3A_17 = tpu.matmul %get3A_7, %slice3A_14, %dot_general3A_16 {dimension_numbers = #tpu.dot_dimension_numbers<[1], [1], [0], [0], [0, 0, 1, 0], [], []>, transpose_lhs_hint = false} : vector<2048x128xf32>, vector<128x128xf32>, vector<2048x128xf32> -> vector<2048x128xf32>
    %add3A = arith.addf %dot_general3A_15, %dot_general3A_17 : vector<2048x128xf32>
    %get3A_18 = arith.constant 0 : index
    %get3A_19 = arith.constant 0 : index
    %get3A_20 = vector.load %arg6[%get3A_18, %get3A_19] : memref<1x128xf32, #tpu.memory_space<vmem>>, vector<1x128xf32>
    %add3A_21 = vector.broadcast %get3A_20 : vector<1x128xf32> to vector<2048x128xf32>
    %add3A_22 = arith.addf %add3A, %add3A_21 : vector<2048x128xf32>
    %mul3A = arith.mulf %get3A_1, %add3A_22 : vector<2048x128xf32>
    %reduce_sum3A = arith.constant dense<0.000000e+00> : vector<2048xf32>
    %reduce_sum3A_23 = vector.multi_reduction <add>, %mul3A, %reduce_sum3A [1] : vector<2048x128xf32> to vector<2048xf32>
    %swap3A = arith.constant 0 : index
    %swap3A_24 = vector.load %arg7[%swap3A] : memref<2048xf32, #tpu.memory_space<vmem>>, vector<2048xf32>
    tpu.vector_store %arg7[%swap3A], %reduce_sum3A_23 {strides = array<i32>} : memref<2048xf32, #tpu.memory_space<vmem>>, vector<2048xf32>,
    %mul3A_25 = arith.mulf %get3A_1, %get3A_10 : vector<2048x128xf32>
    %reduce_sum3A_26 = arith.constant dense<0.000000e+00> : vector<2048xf32>
    %reduce_sum3A_27 = vector.multi_reduction <add>, %mul3A_25, %reduce_sum3A_26 [1] : vector<2048x128xf32> to vector<2048xf32>
    %swap3A_28 = arith.constant 0 : index
    %swap3A_29 = vector.load %arg8[%swap3A_28] : memref<2048xf32, #tpu.memory_space<vmem>>, vector<2048xf32>
    tpu.vector_store %arg8[%swap3A_28], %reduce_sum3A_27 {strides = array<i32>} : memref<2048xf32, #tpu.memory_space<vmem>>, vector<2048xf32>,
    return
  }
  func.func @transform_0(%arg0: i32) -> (i32, i32) {
    %c0_i32 = arith.constant 0 : i32
    %c0_i32_0 = arith.constant 0 : i32
    return %arg0, %c0_i32 : i32, i32
  }
  func.func @transform_1(%arg0: i32) -> (i32, i32) {
    %c0_i32 = arith.constant 0 : i32
    %c0_i32_0 = arith.constant 0 : i32
    return %arg0, %c0_i32 : i32, i32
  }
  func.func @transform_2(%arg0: i32) -> (i32, i32) {
    %c0_i32 = arith.constant 0 : i32
    %c0_i32_0 = arith.constant 0 : i32
    return %arg0, %c0_i32 : i32, i32
  }
  func.func @transform_3(%arg0: i32) -> (i32, i32) {
    %c0_i32 = arith.constant 0 : i32
    %c0_i32_0 = arith.constant 0 : i32
    return %arg0, %c0_i32 : i32, i32
  }
  func.func @transform_4(%arg0: i32) -> (i32, i32) {
    %c0_i32 = arith.constant 0 : i32
    %c0_i32_0 = arith.constant 0 : i32
    %c0_i32_1 = arith.constant 0 : i32
    return %c0_i32, %c0_i32_0 : i32, i32
  }
  func.func @transform_5(%arg0: i32) -> (i32, i32) {
    %c0_i32 = arith.constant 0 : i32
    %c0_i32_0 = arith.constant 0 : i32
    %c0_i32_1 = arith.constant 0 : i32
    return %c0_i32, %c0_i32_0 : i32, i32
  }
  func.func @transform_6(%arg0: i32) -> i32 {
    %c0_i32 = arith.constant 0 : i32
    return %arg0 : i32
  }
  func.func @transform_7(%arg0: i32) -> i32 {
    %c0_i32 = arith.constant 0 : i32
    return %arg0 : i32
  }
}

</mosaic_0001>

<sc_bundles>
// kernel: kernel.4.cloned.1.call-start
scs
__scs_entry_jumppad:
0x0: {  	(pc) =	sbr.rel $0x88, $3  }
0x1: {  	(tag) =	ssettag $0x0;
	lr =	simm.s32 $0x1  }
0x2: {  	[smem:$0x3F99] =	sst lr;
	_ =	strace $0xD0000000  }
0x3: {  	_ = 	snop  }
0x4: {  	_ = 	snop  }
0x5: {  	_ = 	snop  }
0x6: {  	_ = 	snop  }
0x7: {  	_ = 	snop  }
__scs_overlays_trampoline_lowered:
0x8: {  	[smem:$0x3FA8] =	sst s0  }
0x9: {  	[smem:$0x3FA9] =	sst s1  }
0xa: {  	[smem:$0x3FAA] =	sst s2  }
0xb: {  	[smem:$0x3FAB] =	sst s3  }
0xc: {  	[smem:$0x3FAC] =	sst s4  }
0xd: {  	[smem:$0x3FAD] =	sst s5  }
0xe: {  	[smem:$0x3FAE] =	sst s6  }
0xf: {  	[smem:$0x3FAF] =	sst s7  }
0x10: {  	[smem:$0x3FB0] =	sst s8  }
0x11: {  	[smem:$0x3FB1] =	sst s9;
	s0 =	simm.s32 @!p0 $0x0  }
0x12: {  	s1 =	sld [smem:$0x3F97];
	s0 =	simm.s32 @p0 $0x1  }
0x13: {  	[smem:$0x3FB2] =	sst s0;
	s0 =	simm.s32 @!p1 $0x0  }
0x14: {  	s2 =	sld [smem:$0x3F96];
	s0 =	simm.s32 @p1 $0x1  }
0x15: {  	[smem:$0x3FB3] =	sst s0;
	s0 =	simm.s32 @!p2 $0x0  }
0x16: {  	s3 =	sld [smem:$0x3FDB];
	s0 =	simm.s32 @p2 $0x1  }
0x17: {  	s4 =	simm.s32 $0x1BF5;
	[smem:$0x3FB5] =	sst s0  }
0x18: {  	s0 =	sld [smem:$0x3F98];
	_ =	swait.ge [sflag:s4], $0x0  }
0x19: {  	s7 =	sld [smem:$0x3F99]  }
0x1a: {  	s8 =	sadd.s32 $0xFFFFE003, lr  }
0x1b: {  	s9 =	sadd.s32 $0xFFFFFEF7, lr;
	s5 =	simm.s32 $0xFFFFFFFF;
	p2 =	slt.u32 s8, $0xFFFFF086  }
0x1c: {  	p1 =	slt.u32 s9, $0xF7A;
	s5 =	simm.s32 @!p2 $0x0  }
0x1d: {  	s5 =	simm.s32 @p1 $0x1;
	p0 =	seq.s32 s7, s2  }
0x1e: {  	s7 =	smul.u32 @!p0 $0xF7A, s2;
	p2 =	seq.s32 @!p0 s5, $0x0  }
0x1f: {  	s9 =	smul.u32 $0xF7A, s1;
	s8 =	simm.s32 @!p0 $0x1BF5;
	p2 =	por !p2, p0  }
0x20: {  	[sflag:s8] =	ssyncset.s32 @!p0 $0xFFFFF086;
	s6 =	sadd.s32 @!p0 s3, s7;
	s7 =	simm.s32 @!p0 $0x108  }
0x21: {  	s3 =	sadd.s32 s3, s9;
	s6 =	sadd.s32 @!p0 $0x88, s6;
	s7 =	simm.s32 @p2 $0x1082  }
0x22: {  	[simem:s7], [sflag:s8] =	dma.local @!p0 [hbm:s6], $0xF7A  }
0x23: {  	s9 =	sor.u32 $0xD0000000, s2;
	s6 =	simm.s32 $0x108;
	_ =	swait.ge @!p0 [sflag:s8], $0x0  }
0x24: {  	s3 =	sadd.s32 $0x88, s3;
	s6 =	simm.s32 @!p1 $0x1082;
	[sflag:s4] =	ssyncset.s32 $0xFFFFF086  }
0x25: {  	[simem:s6], [sflag:s4] =	dma.local [hbm:s3], $0xF7A  }
0x26: {  	[smem:$0x3F99] =	sst s1;
	(tag) =	ssettag s2;
	_ =	strace s9  }
0x27: {  	s1 =	sld [smem:$0x3FA9]  }
0x28: {  	s2 =	sld [smem:$0x3FAA]  }
0x29: {  	s4 =	sld [smem:$0x3FAC]  }
0x2a: {  	p0 =	seq.s32 s5, $0x0;
	s5 =	sld [smem:$0x3FAD]  }
0x2b: {  	s6 =	sld [smem:$0x3FAE]  }
0x2c: {  	s7 =	sld [smem:$0x3FAF]  }
0x2d: {  	s3 =	simm.s32 $0x108;
	s8 =	sld [smem:$0x3FB0]  }
0x2e: {  	s3 =	simm.s32 @!p0 $0x1082;
	s9 =	sld [smem:$0x3FB1]  }
0x2f: {  	lr =	sadd.s32 s0, s3;
	s0 =	sld [smem:$0x3FA8]  }
0x30: {  	s3 =	sld [smem:$0x3FAB]  }
0x31: {  	[smem:$0x3FB4] =	sst s10  }
0x32: {  	s10 =	sld [smem:$0x3FB2];
	_ =	sdelay $0x3  }
0x33: {  	p0 =	seq.s32 s10, $0x1;
	s10 =	sld [smem:$0x3FB4];
	_ =	sdelay $0x3  }
0x34: {  	[smem:$0x3FB4] =	sst s10  }
0x35: {  	s10 =	sld [smem:$0x3FB3];
	_ =	sdelay $0x3  }
0x36: {  	p1 =	seq.s32 s10, $0x1;
	s10 =	sld [smem:$0x3FB4];
	_ =	sdelay $0x3  }
0x37: {  	[smem:$0x3FB4] =	sst s10  }
0x38: {  	s10 =	sld [smem:$0x3FB5]  }
0x39: {  	_ = 	snop;
	(pc) =	sbr.ind lr, $3  }
0x3a: {  	_ = 	snop  }
0x3b: {  	_ = 	snop  }
0x3c: {  	p2 =	seq.s32 s10, $0x1;
	s10 =	sld [smem:$0x3FB4]  }
0x3d: {  	_ =	shalt  }
0x3e: {  	_ =	shalt  }
0x3f: {  	_ =	shalt  }
0x40: {  	_ =	shalt  }
0x41: {  	_ =	shalt  }
0x42: {  	_ =	shalt  }
0x43: {  	_ =	shalt  }
0x44: {  	_ =	shalt  }
0x45: {  	_ =	shalt  }
0x46: {  	_ =	shalt  }
0x47: {  	_ =	shalt  }
0x48: {  	_ =	shalt  }
0x49: {  	_ =	shalt  }
0x4a: {  	_ =	shalt  }
0x4b: {  	_ =	shalt  }
0x4c: {  	_ =	shalt  }
0x4d: {  	_ =	shalt  }
0x4e: {  	_ =	shalt  }
0x4f: {  	_ =	shalt  }
0x50: {  	_ =	shalt  }
0x51: {  	_ =	shalt  }
0x52: {  	_ =	shalt  }
0x53: {  	_ =	shalt  }
0x54: {  	_ =	shalt  }
0x55: {  	_ =	shalt  }
0x56: {  	_ =	shalt  }
0x57: {  	_ =	shalt  }
0x58: {  	_ =	shalt  }
0x59: {  	_ =	shalt  }
0x5a: {  	_ =	shalt  }
0x5b: {  	_ =	shalt  }
0x5c: {  	_ =	shalt  }
0x5d: {  	_ =	shalt  }
0x5e: {  	_ =	shalt  }
0x5f: {  	_ =	shalt  }
0x60: {  	_ =	shalt  }
0x61: {  	_ =	shalt  }
0x62: {  	_ =	shalt  }
0x63: {  	_ =	shalt  }
0x64: {  	_ =	shalt  }
0x65: {  	_ =	shalt  }
0x66: {  	_ =	shalt  }
0x67: {  	_ =	shalt  }
0x68: {  	_ =	shalt  }
0x69: {  	_ =	shalt  }
0x6a: {  	_ =	shalt  }
0x6b: {  	_ =	shalt  }
0x6c: {  	_ =	shalt  }
0x6d: {  	_ =	shalt  }
0x6e: {  	_ =	shalt  }
0x6f: {  	_ =	shalt  }
0x70: {  	_ =	shalt  }
0x71: {  	_ =	shalt  }
0x72: {  	_ =	shalt  }
0x73: {  	_ =	shalt  }
0x74: {  	_ =	shalt  }
0x75: {  	_ =	shalt  }
0x76: {  	_ =	shalt  }
0x77: {  	_ =	shalt  }
0x78: {  	_ =	shalt  }
0x79: {  	_ =	shalt  }
0x7a: {  	_ =	shalt  }
0x7b: {  	_ =	shalt  }
0x7c: {  	_ =	shalt  }
0x7d: {  	_ =	shalt  }
0x7e: {  	_ =	shalt  }
0x7f: {  	_ =	shalt  }
0x80: {  	_ =	shalt  }
0x81: {  	_ =	shalt  }
0x82: {  	_ =	shalt  }
0x83: {  	_ =	shalt  }
0x84: {  	_ =	shalt  }
0x85: {  	_ =	shalt  }
0x86: {  	_ =	shalt  }
0x87: {  	_ =	shalt  }
.Lfunc_end0:
.L_simem_size_0:
called_computation_lowered:
.L_overlay_start_0:
0x88: {  	s2 =	sld [smem:$0x3FD9]  }
0x89: {  	s3 =	sld [smem:$0x3FFE];
	_ =	sdelay $0x1  }
0x8a: {  	s1 =	srdreg.scid  }
0x8b: {  	s0 =	sand.u32 $0x1, s1  }
0x8c: {  	s17 =	sshll.u32 s0, $0xA;
	s2 =	sadd.s32 s3, s2  }
0x8d: {  	s2 =	sadd.s32 s2, s17  }
0x8e: {  	[smem:$0x3FC0] =	sst s2  }
0x8f: {  	_ = 	snop  }
0x90: {  	s2 =	sld [smem:$0x3FC9]  }
0x91: {  	s18 =	sld [smem:$0x3FC8]  }
0x92: {  	s4 =	sld [smem:$0x3FC7]  }
0x93: {  	s5 =	sld [smem:$0x3FC5]  }
0x94: {  	s6 =	sld [smem:$0x3FC4];
	(tm) =	ssettm $0x1  }
0x95: {  	s7 =	sld [smem:$0x3FFB];
	_ =	sdelay $0x3  }
0x96: {  	_ =	strace s7  }
0x97: {  	s7 =	sld [smem:$0x3FFC];
	_ =	sdelay $0x3  }
0x98: {  	_ =	strace s7  }
0x99: {  	s7 =	sld [smem:$0x3FFD];
	_ =	sdelay $0x3  }
0x9a: {  	_ =	strace s7  }
0x9b: {  	_ =	strace $0x8FFFFFFF  }
0x9c: {  	s19 =	sld [smem:$0x3FDB];
	_ =	sdelay $0x1  }
0x9d: {  	s8 =	simm.s32 $_scs_section_size  }
0x9e: {  	s9 =	simm.s32 $_size__tile_overlayer_lowered;
	s10 =	simm.s32 $_tile_overlayer_lowered  }
0x9f: {  	s22 =	simm.s32 $0x1BFF;
	s21 =	sshll.u32 s10, $0x1;
	s7 =	sadd.s32 s8, s19  }
0xa0: {  	s11 =	simm.s32 $0x0;
	s20 =	sshll.u32 s9, $0x1;
	s9 =	sadd.s32 s21, s7  }
0xa1: {  	[timem:s11], [sflag:s22] =	dma.local [hbm:s9], s20  }
0xa2: {  	_ =	swait.ge [sflag:s22], s20  }
0xa3: {  	s8 =	ssub.s32 $0x0, s20;
	[sflag:s22] =	ssyncset.done $0x0  }
0xa4: {  	[sflag:s22] =	ssyncadd.s32 s8;
	_ =	sdelay $0x1  }
0xa5: {  	s23 =	simm.s32 $0x1B8B  }
0xa6: {  	_ =	swait.ge [sflag:s23], $0x1  }
0xa7: {  	[sflag:s23] =	ssyncset.done $0x0  }
0xa8: {  	s25 =	simm.s32 $0x1B8E;
	s24 =	sld [smem:$0x3FFE];
	[sflag:s23] =	ssyncadd.s32 $0xFFFFFFFF  }
0xa9: {  	s26 =	simm.s32 $execute0_lowered;
	[smem:$0x3FD2] =	sst s25  }
0xaa: {  	s9 =	sshll.u32 s26, $0x1;
	_ =	strace $0x80000046;
	[dreg:$0x1] =	wrdreg $0xFFFFFFFF  }
0xab: {  	s28 =	simm.s32 $_size_execute0_lowered;
	s7 =	sadd.s32 s7, s9;
	[dreg:$0x0] =	wrdreg $0x0  }
0xac: {  	s9 =	sshll.u32 s28, $0x1;
	[dreg:$0x2] =	wrdreg s7  }
0xad: {  	[dreg:$0x3] =	wrdreg s9  }
0xae: {  	[dreg:$0x4] =	wrdreg $0xC0  }
0xaf: {  	_ =	task [dreg:s11], $0x5FFFF  }
0xb0: {  	[dreg:$0x1] =	wrdreg $0xFFFFFFFF  }
0xb1: {  	[dreg:$0x0] =	wrdreg $0x60  }
0xb2: {  	[dreg:$0x2] =	wrdreg s2  }
0xb3: {  	[dreg:$0x3] =	wrdreg s18  }
0xb4: {  	[dreg:$0x4] =	wrdreg s4  }
0xb5: {  	[dreg:$0x5] =	wrdreg s5  }
0xb6: {  	[dreg:$0x6] =	wrdreg s6  }
0xb7: {  	[dreg:$0x7] =	wrdreg s24  }
0xb8: {  	[dreg:$0x8] =	wrdreg $0x9  }
0xb9: {  	_ =	task.clear_ibuf [dreg:s11], $0x9FFFF;
	_ =	strace $0x90000046  }
0xba: {  	s29 =	simm.s32 $0x9;
	_ =	strace $0x80000048  }
0xbb: {  	_ =	swait.ge [sflag:s29], $0x1  }
0xbc: {  	[sflag:s29] =	ssyncadd.s32 $0xFFFFFFFF  }
0xbd: {  	_ =	strace $0x90000048  }
0xbe: {  	_ =	sfence  }
0xbf: {  	s30 =	sld [smem:$0x0];
	_ =	sdelay $0x2  }
0xc0: {  	s31 =	sshll.u32 s1, $0xD;
	s1 =	sshrl.u32 s1, $0x2  }
0xc1: {  	s3 =	sand.u32 $0x4000, s31;
	s1 =	sadd.s32 s1, s30  }
0xc2: {  	s0 =	sor.u32 s3, s0;
	s1 =	sshll.u32 s1, $0x11  }
0xc3: {  	s0 =	sor.u32 s1, s0  }
0xc4: {  	s0 =	sadd.s32 $0x8F2B, s0  }
0xc5: {  	[sflag:s0] =	ssyncadd.remote.s32 $0x1  }
0xc6: {  	_ =	sfence.sel $0xFFFF  }
0xc7: {  	[dreg:$0x0] =	wrdreg $0xFFFFFFFF;
	(pc) =	sbr.abs _section_cstart, $3  }
0xc8: {  	[dreg:$0x1] =	wrdreg $0xFFFFFFFF  }
0xc9: {  	_ =	task.clear_ibuf [dreg:s11], $0x2FFFF;
	_ =	strace $0x9FFFFFFF  }
0xca: {  	(tm) =	ssettm $0x7FFFFFFF  }
0xcb: {  	_ =	shalt  }
tec
execute0_lowered:
.L_overlay_start_1:
0x0: {  	(tag) =	ssettag $0x1  }
0x1: {  	s5 =	rddreg [dreg:$0x0]  }
0x2: {  	s16 =	rddreg [dreg:$0x1]  }
0x3: {  	s18 =	rddreg [dreg:$0x2]  }
0x4: {  	s2 =	rddreg [dreg:$0x3]  }
0x5: {  	s3 =	rddreg [dreg:$0x4]  }
0x6: {  	s1 =	srdreg.scid;
	s0 =	stileid.u32  }
0x7: {  	s15 =	rddreg [dreg:$0x5];
	s19 =	sand.u32 $0x1, s1;
	s6 =	sshll.u32 s0, $0x1  }
0x8: {  	s4 =	simm.s32 $0x0;
	s1 =	rddreg [dreg:$0x6];
	s17 =	sor.u32 s19, s6  }
0x9: {  	[smem:$0x7FF] =	sst s4;
	s20 =	sshll.u32 s17, $0x6  }
0xa: {  	_ =	strace $0x80000047;
	s6 =	sadd.s32 s5, s20;
	s5 =	simm.s32 $0x2  }
0xb: {  	[tilespmem:s4], [sflag:$0x2] =	stream.linear.gather [hbm4b:s6+s4], $0x200, $0x38;
	[tilespmem:$0x10200] =	vst v63  }
0xc: {  	_ =	swait.ge [sflag:s5], $0x200  }
0xd: {  	[sflag:s5] =	ssyncset.done $0x0  }
0xe: {  	s7 =	simm.s32 $0x80;
	s8 =	simm.s32 $0x200;
	[sflag:s5] =	ssyncadd.s32 $0xFFFFFE00  }
0xf: {  	[tilespmem:s8], [sflag:$0x1] =	stream.indirect.gather [hbm4b:s2+s7], $0x80, s4, s7, $0xb8;
	[tilespmem:$0x10200] =	vst v63  }
0x10: {  	s9 =	simm.s32 $0x4200  }
0x11: {  	[tilespmem:s9], [sflag:$0x1] =	stream.indirect.gather [hbm4b:s2+s7], $0x80, s7, s7, $0xb8;
	[tilespmem:$0x10200] =	vst v63  }
0x12: {  	s10 =	simm.s32 $0x100;
	s11 =	simm.s32 $0x8200  }
0x13: {  	[tilespmem:s11], [sflag:$0x1] =	stream.indirect.gather [hbm4b:s2+s7], $0x80, s10, s7, $0xb8;
	[tilespmem:$0x10200] =	vst v63  }
0x14: {  	s12 =	simm.s32 $0x180;
	s13 =	simm.s32 $0xC200;
	s14 =	simm.s32 $0x1  }
0x15: {  	[tilespmem:s13], [sflag:$0x1] =	stream.indirect.gather [hbm4b:s2+s7], $0x80, s12, s7, $0xb8;
	[tilespmem:$0x10200] =	vst v63  }
0x16: {  	_ =	swait.ge [sflag:s14], $0x4000  }
0x17: {  	[sflag:s14] =	ssyncset.done $0x0  }
0x18: {  	[sflag:s14] =	ssyncadd.s32 $0xFFFFC000  }
0x19: {  	_ =	swait.ge [sflag:s14], $0x4000  }
0x1a: {  	[sflag:s14] =	ssyncset.done $0x0  }
0x1b: {  	[sflag:s14] =	ssyncadd.s32 $0xFFFFC000  }
0x1c: {  	_ =	swait.ge [sflag:s14], $0x4000  }
0x1d: {  	[sflag:s14] =	ssyncset.done $0x0  }
0x1e: {  	[sflag:s14] =	ssyncadd.s32 $0xFFFFC000  }
0x1f: {  	s17 =	sshll.u32 s17, $0xD;
	_ =	swait.ge [sflag:s14], $0x4000  }
0x20: {  	s21 =	sadd.s32 s17, s15;
	[sflag:s14] =	ssyncset.done $0x0  }
0x21: {  	s15 =	sadd.s32 $0x1000, s21;
	[sflag:s14] =	ssyncadd.s32 $0xFFFFC000  }
0x22: {  	[hbm4b:s15+s4] =	stream.linear.scatter [tilespmem:s8], [sflag:$0x2], $0x10000, $0x38;
	[tilespmem:$0x10200] =	vst v63  }
0x23: {  	_ =	swait.ge [sflag:s5], $0x10000  }
0x24: {  	[sflag:s5] =	ssyncset.done $0x0  }
0x25: {  	s16 =	sadd.s32 s16, s20;
	[sflag:s5] =	ssyncadd.s32 $0xFFFF0000  }
0x26: {  	[tilespmem:s4], [sflag:$0x2] =	stream.linear.gather [hbm4b:s16+s4], $0x200, $0x38;
	[tilespmem:$0x10200] =	vst v63  }
0x27: {  	_ =	swait.ge [sflag:s5], $0x200  }
0x28: {  	[sflag:s5] =	ssyncset.done $0x0  }
0x29: {  	[sflag:s5] =	ssyncadd.s32 $0xFFFFFE00  }
0x2a: {  	[tilespmem:s8], [sflag:$0x1] =	stream.indirect.gather [hbm4b:s3+s7], $0x80, s4, s7, $0xb8;
	[tilespmem:$0x10200] =	vst v63  }
0x2b: {  	_ = 	snop  }
0x2c: {  	[tilespmem:s9], [sflag:$0x1] =	stream.indirect.gather [hbm4b:s3+s7], $0x80, s7, s7, $0xb8;
	[tilespmem:$0x10200] =	vst v63  }
0x2d: {  	_ = 	snop  }
0x2e: {  	[tilespmem:s11], [sflag:$0x1] =	stream.indirect.gather [hbm4b:s3+s7], $0x80, s10, s7, $0xb8;
	[tilespmem:$0x10200] =	vst v63  }
0x2f: {  	_ = 	snop  }
0x30: {  	[tilespmem:s13], [sflag:$0x1] =	stream.indirect.gather [hbm4b:s3+s7], $0x80, s12, s7, $0xb8;
	[tilespmem:$0x10200] =	vst v63  }
0x31: {  	_ =	swait.ge [sflag:s14], $0x4000  }
0x32: {  	[sflag:s14] =	ssyncset.done $0x0  }
0x33: {  	[sflag:s14] =	ssyncadd.s32 $0xFFFFC000  }
0x34: {  	_ =	swait.ge [sflag:s14], $0x4000  }
0x35: {  	[sflag:s14] =	ssyncset.done $0x0  }
0x36: {  	[sflag:s14] =	ssyncadd.s32 $0xFFFFC000  }
0x37: {  	_ =	swait.ge [sflag:s14], $0x4000  }
0x38: {  	[sflag:s14] =	ssyncset.done $0x0  }
0x39: {  	[sflag:s14] =	ssyncadd.s32 $0xFFFFC000  }
0x3a: {  	_ =	swait.ge [sflag:s14], $0x4000  }
0x3b: {  	[sflag:s14] =	ssyncset.done $0x0  }
0x3c: {  	s17 =	sadd.s32 $0x41000, s21;
	[sflag:s14] =	ssyncadd.s32 $0xFFFFC000  }
0x3d: {  	[hbm4b:s17+s4] =	stream.linear.scatter [tilespmem:s8], [sflag:$0x2], $0x10000, $0x38;
	[tilespmem:$0x10200] =	vst v63  }
0x3e: {  	_ =	swait.ge [sflag:s5], $0x10000  }
0x3f: {  	[sflag:s5] =	ssyncset.done $0x0  }
0x40: {  	s18 =	sadd.s32 s18, s20;
	[sflag:s5] =	ssyncadd.s32 $0xFFFF0000  }
0x41: {  	[tilespmem:s4], [sflag:$0x2] =	stream.linear.gather [hbm4b:s18+s4], $0x200, $0x38;
	[tilespmem:$0x10200] =	vst v63  }
0x42: {  	_ =	swait.ge [sflag:s5], $0x200  }
0x43: {  	[sflag:s5] =	ssyncset.done $0x0  }
0x44: {  	[sflag:s5] =	ssyncadd.s32 $0xFFFFFE00  }
0x45: {  	[tilespmem:s8], [sflag:$0x1] =	stream.indirect.gather [hbm4b:s3+s7], $0x80, s4, s7, $0xb8;
	[tilespmem:$0x10200] =	vst v63  }
0x46: {  	_ = 	snop  }
0x47: {  	[tilespmem:s9], [sflag:$0x1] =	stream.indirect.gather [hbm4b:s3+s7], $0x80, s7, s7, $0xb8;
	[tilespmem:$0x10200] =	vst v63  }
0x48: {  	_ = 	snop  }
0x49: {  	[tilespmem:s11], [sflag:$0x1] =	stream.indirect.gather [hbm4b:s3+s7], $0x80, s10, s7, $0xb8;
	[tilespmem:$0x10200] =	vst v63  }
0x4a: {  	_ = 	snop  }
0x4b: {  	[tilespmem:s13], [sflag:$0x1] =	stream.indirect.gather [hbm4b:s3+s7], $0x80, s12, s7, $0xb8;
	[tilespmem:$0x10200] =	vst v63  }
0x4c: {  	_ =	swait.ge [sflag:s14], $0x4000  }
0x4d: {  	[sflag:s14] =	ssyncset.done $0x0  }
0x4e: {  	[sflag:s14] =	ssyncadd.s32 $0xFFFFC000  }
0x4f: {  	_ =	swait.ge [sflag:s14], $0x4000  }
0x50: {  	[sflag:s14] =	ssyncset.done $0x0  }
0x51: {  	s19 =	ssub.s32 $0x2, s19;
	[sflag:s14] =	ssyncadd.s32 $0xFFFFC000  }
0x52: {  	s31 =	sshrl.u32 s19, $0x1;
	_ =	swait.ge [sflag:s14], $0x4000  }
0x53: {  	s20 =	ssub.s32 s19, s31;
	[sflag:s14] =	ssyncset.done $0x0  }
0x54: {  	s20 =	smax.u32 s20, $0x1;
	[sflag:s14] =	ssyncadd.s32 $0xFFFFC000  }
0x55: {  	p0 =	sne.s32 s20, $0x1;
	_ =	swait.ge [sflag:s14], $0x4000  }
.Ltmp0:
0x56: {  	[sflag:s14] =	ssyncset.done $0x0;
	(pc) =	sbr.rel @!p0 .LBB2_2-.Ltmp0, $4  }
0x57: {  	s19 =	sadd.s32 $0x81000, s21;
	[sflag:s14] =	ssyncadd.s32 $0xFFFFC000  }
0x58: {  	[hbm4b:s19+s4] =	stream.linear.scatter [tilespmem:s8], [sflag:$0x2], $0x10000, $0x38;
	[tilespmem:$0x10200] =	vst v63  }
0x59: {  	_ =	swait.ge [sflag:s5], $0x10000  }
0x5a: {  	s20 =	sadd.s32 $0xFFFFFFFF, s20;
	[sflag:s5] =	ssyncset.done $0x0  }
.LBB2_1:
0x5b: {  	p0 =	sne.s32 s20, $0x1;
	s20 =	sadd.s32 $0xFFFFFFFF, s20;
	[sflag:s5] =	ssyncadd.s32 $0xFFFF0000  }
0x5c: {  	[tilespmem:s4], [sflag:$0x2] =	stream.linear.gather [hbm4b:s6+s4], $0x200, $0x38;
	[tilespmem:$0x10200] =	vst v63  }
0x5d: {  	_ =	swait.ge [sflag:s5], $0x200  }
0x5e: {  	[sflag:s5] =	ssyncset.done $0x0  }
0x5f: {  	[sflag:s5] =	ssyncadd.s32 $0xFFFFFE00  }
0x60: {  	[tilespmem:s8], [sflag:$0x1] =	stream.indirect.gather [hbm4b:s2+s7], $0x80, s4, s7, $0xb8;
	[tilespmem:$0x10200] =	vst v63  }
0x61: {  	_ = 	snop  }
0x62: {  	[tilespmem:s9], [sflag:$0x1] =	stream.indirect.gather [hbm4b:s2+s7], $0x80, s7, s7, $0xb8;
	[tilespmem:$0x10200] =	vst v63  }
0x63: {  	_ = 	snop  }
0x64: {  	[tilespmem:s11], [sflag:$0x1] =	stream.indirect.gather [hbm4b:s2+s7], $0x80, s10, s7, $0xb8;
	[tilespmem:$0x10200] =	vst v63  }
0x65: {  	_ = 	snop  }
0x66: {  	[tilespmem:s13], [sflag:$0x1] =	stream.indirect.gather [hbm4b:s2+s7], $0x80, s12, s7, $0xb8;
	[tilespmem:$0x10200] =	vst v63  }
0x67: {  	_ =	swait.ge [sflag:s14], $0x4000  }
0x68: {  	[sflag:s14] =	ssyncset.done $0x0  }
0x69: {  	[sflag:s14] =	ssyncadd.s32 $0xFFFFC000  }
0x6a: {  	_ =	swait.ge [sflag:s14], $0x4000  }
0x6b: {  	[sflag:s14] =	ssyncset.done $0x0  }
0x6c: {  	[sflag:s14] =	ssyncadd.s32 $0xFFFFC000  }
0x6d: {  	_ =	swait.ge [sflag:s14], $0x4000  }
0x6e: {  	[sflag:s14] =	ssyncset.done $0x0  }
0x6f: {  	[sflag:s14] =	ssyncadd.s32 $0xFFFFC000  }
0x70: {  	_ =	swait.ge [sflag:s14], $0x4000  }
0x71: {  	[sflag:s14] =	ssyncset.done $0x0  }
0x72: {  	[sflag:s14] =	ssyncadd.s32 $0xFFFFC000  }
0x73: {  	[hbm4b:s15+s4] =	stream.linear.scatter [tilespmem:s8], [sflag:$0x2], $0x10000, $0x38;
	[tilespmem:$0x10200] =	vst v63  }
0x74: {  	_ =	swait.ge [sflag:s5], $0x10000  }
0x75: {  	[sflag:s5] =	ssyncset.done $0x0  }
0x76: {  	[sflag:s5] =	ssyncadd.s32 $0xFFFF0000  }
0x77: {  	[tilespmem:s4], [sflag:$0x2] =	stream.linear.gather [hbm4b:s16+s4], $0x200, $0x38;
	[tilespmem:$0x10200] =	vst v63  }
0x78: {  	_ =	swait.ge [sflag:s5], $0x200  }
0x79: {  	[sflag:s5] =	ssyncset.done $0x0  }
0x7a: {  	[sflag:s5] =	ssyncadd.s32 $0xFFFFFE00  }
0x7b: {  	[tilespmem:s8], [sflag:$0x1] =	stream.indirect.gather [hbm4b:s3+s7], $0x80, s4, s7, $0xb8;
	[tilespmem:$0x10200] =	vst v63  }
0x7c: {  	_ = 	snop  }
0x7d: {  	[tilespmem:s9], [sflag:$0x1] =	stream.indirect.gather [hbm4b:s3+s7], $0x80, s7, s7, $0xb8;
	[tilespmem:$0x10200] =	vst v63  }
0x7e: {  	_ = 	snop  }
0x7f: {  	[tilespmem:s11], [sflag:$0x1] =	stream.indirect.gather [hbm4b:s3+s7], $0x80, s10, s7, $0xb8;
	[tilespmem:$0x10200] =	vst v63  }
0x80: {  	_ = 	snop  }
0x81: {  	[tilespmem:s13], [sflag:$0x1] =	stream.indirect.gather [hbm4b:s3+s7], $0x80, s12, s7, $0xb8;
	[tilespmem:$0x10200] =	vst v63  }
0x82: {  	_ =	swait.ge [sflag:s14], $0x4000  }
0x83: {  	[sflag:s14] =	ssyncset.done $0x0  }
0x84: {  	[sflag:s14] =	ssyncadd.s32 $0xFFFFC000  }
0x85: {  	_ =	swait.ge [sflag:s14], $0x4000  }
0x86: {  	[sflag:s14] =	ssyncset.done $0x0  }
0x87: {  	[sflag:s14] =	ssyncadd.s32 $0xFFFFC000  }
0x88: {  	_ =	swait.ge [sflag:s14], $0x4000  }
0x89: {  	[sflag:s14] =	ssyncset.done $0x0  }
0x8a: {  	[sflag:s14] =	ssyncadd.s32 $0xFFFFC000  }
0x8b: {  	_ =	swait.ge [sflag:s14], $0x4000  }
0x8c: {  	[sflag:s14] =	ssyncset.done $0x0  }
0x8d: {  	[sflag:s14] =	ssyncadd.s32 $0xFFFFC000  }
0x8e: {  	[hbm4b:s17+s4] =	stream.linear.scatter [tilespmem:s8], [sflag:$0x2], $0x10000, $0x38;
	[tilespmem:$0x10200] =	vst v63  }
0x8f: {  	_ =	swait.ge [sflag:s5], $0x10000  }
0x90: {  	[sflag:s5] =	ssyncset.done $0x0  }
0x91: {  	[sflag:s5] =	ssyncadd.s32 $0xFFFF0000  }
0x92: {  	[tilespmem:s4], [sflag:$0x2] =	stream.linear.gather [hbm4b:s18+s4], $0x200, $0x38;
	[tilespmem:$0x10200] =	vst v63  }
0x93: {  	_ =	swait.ge [sflag:s5], $0x200  }
0x94: {  	[sflag:s5] =	ssyncset.done $0x0  }
0x95: {  	[sflag:s5] =	ssyncadd.s32 $0xFFFFFE00  }
0x96: {  	[tilespmem:s8], [sflag:$0x1] =	stream.indirect.gather [hbm4b:s3+s7], $0x80, s4, s7, $0xb8;
	[tilespmem:$0x10200] =	vst v63  }
0x97: {  	_ = 	snop  }
0x98: {  	[tilespmem:s9], [sflag:$0x1] =	stream.indirect.gather [hbm4b:s3+s7], $0x80, s7, s7, $0xb8;
	[tilespmem:$0x10200] =	vst v63  }
0x99: {  	_ = 	snop  }
0x9a: {  	[tilespmem:s11], [sflag:$0x1] =	stream.indirect.gather [hbm4b:s3+s7], $0x80, s10, s7, $0xb8;
	[tilespmem:$0x10200] =	vst v63  }
0x9b: {  	_ = 	snop  }
0x9c: {  	[tilespmem:s13], [sflag:$0x1] =	stream.indirect.gather [hbm4b:s3+s7], $0x80, s12, s7, $0xb8;
	[tilespmem:$0x10200] =	vst v63  }
0x9d: {  	_ =	swait.ge [sflag:s14], $0x4000  }
0x9e: {  	[sflag:s14] =	ssyncset.done $0x0  }
0x9f: {  	[sflag:s14] =	ssyncadd.s32 $0xFFFFC000  }
0xa0: {  	_ =	swait.ge [sflag:s14], $0x4000  }
0xa1: {  	[sflag:s14] =	ssyncset.done $0x0  }
0xa2: {  	[sflag:s14] =	ssyncadd.s32 $0xFFFFC000  }
0xa3: {  	_ =	swait.ge [sflag:s14], $0x4000  }
0xa4: {  	[sflag:s14] =	ssyncset.done $0x0  }
0xa5: {  	[sflag:s14] =	ssyncadd.s32 $0xFFFFC000  }
0xa6: {  	_ =	swait.ge [sflag:s14], $0x4000  }
.Ltmp1:
0xa7: {  	[sflag:s14] =	ssyncset.done $0x0;
	(pc) =	sbr.rel @p0 .LBB2_1-.Ltmp1, $4  }
0xa8: {  	[sflag:s14] =	ssyncadd.s32 $0xFFFFC000  }
0xa9: {  	[hbm4b:s19+s4] =	stream.linear.scatter [tilespmem:s8], [sflag:$0x2], $0x10000, $0x38;
	[tilespmem:$0x10200] =	vst v63  }
0xaa: {  	_ =	swait.ge [sflag:s5], $0x10000  }
0xab: {  	[sflag:s5] =	ssyncset.done $0x0  }
.LBB2_2:
0xac: {  	[sflag:s5] =	ssyncadd.s32 $0xFFFF0000  }
0xad: {  	_ =	sfence.sel $0x180000  }
0xae: {  	[bflag:$0x0] =	sbarrier.arrive $0xFFFF  }
0xaf: {  	p0 =	sne.s32 s0, $0x0;
	_ =	strace $0x90000047  }
0xb0: {  	s0 =	sadd.s32 @!p0 $0x100000, s1;
	[bflag:$0x2] =	sbarrier.arrive $0xFFFF  }
0xb1: {  	[sflag:s0] =	ssyncadd.tile.s32 @!p0 $0x1;
	_ =	shalt  }
.Lfunc_end2:
_tile_overlayer_lowered:
.L_overlay_start_2:
0xb2: {  	(tag) =	ssettag $0x2  }
0xb3: {  	s0 =	rddreg [dreg:$0x0];
	s2 =	stileid.u32  }
0xb4: {  	s1 =	rddreg [dreg:$0x1];
	p0 =	sne.s32 s2, $0x0  }
0xb5: {  	s3 =	rddreg [dreg:$0x2];
	[bflag:$0x3] =	sbarrier.arrive $0xFFFF;
	s2 =	simm.s32 @!p0 $0x1C02  }
0xb6: {  	[timem:s3], [sflag:s2] =	dma.local @!p0 [hbm:s0], s1  }
0xb7: {  	s0 =	simm.s32 @!p0 $0x2  }
0xb8: {  	_ =	swait.ge @!p0 [sflag:s0], s1  }
0xb9: {  	s1 =	ssub.s32 @!p0 $0x0, s1;
	[sflag:s0] =	ssyncset.done @!p0 $0x0  }
0xba: {  	[sflag:s0] =	ssyncadd.s32 @!p0 s1  }
0xbb: {  	[bflag:$0x3] =	sbarrier.arrive $0xFFFF  }
0xbc: {  	_ =	shalt  }

</sc_bundles>
